<compile_context>
chip_gen: v7x
topology: tpu7x:2x2x1
jax: 0.10.2.dev20260603
libtpu: 0.0.44.dev20260713+nightly
codegen_flags: <defaults>
</compile_context>

<pallas_src>
import functools

import jax
import jax.numpy as jnp
from jax import lax
from jax.experimental import pallas as pl
from jax.experimental.pallas import tpu as pltpu
from jax.experimental.pallas import tpu_sc as plsc

_D = 2048
_G = 8
_K = 8192
_DG = _D // _G
_BETA = 0.25
_B = 4096

_BM = 1024
_KT = 4096
_NB = _B // _BM
_NK = _K // _KT
_HALF = _NK // 2
_JG = _KT // 128


def _cnorm_body(c_ref, out_ref):
    c = c_ref[0]
    out_ref[0, 0, :] = jnp.sum(c * c, axis=1)


_cnorm_call = pl.pallas_call(
    _cnorm_body,
    grid=(_G,),
    in_specs=[pl.BlockSpec((1, _K, _DG), lambda g: (g, 0, 0))],
    out_specs=pl.BlockSpec((1, 1, _K), lambda g: (g, 0, 0)),
    out_shape=jax.ShapeDtypeStruct((_G, 1, _K), jnp.float32),
)


def _argmin_body(h_ref, p_ref, c_ref, cc_ref, idx_ref,
                 z2_ref, zz_ref, lval_ref, lgrp_ref, best_ref, bidx_ref):
    i = pl.program_id(1)
    k = pl.program_id(2)

    @pl.when(k == 0)
    def _proj():
        z = lax.dot_general(h_ref[...], p_ref[0], (((1,), (1,)), ((), ())),
                            preferred_element_type=jnp.float32)
        z2_ref[...] = z + z
        zz_ref[...] = jnp.sum(z * z, axis=1, keepdims=True)

    @pl.when(k % _HALF == 0)
    def _chunk_init():
        lval_ref[...] = jnp.full((_BM, 128), jnp.inf, jnp.float32)
        lgrp_ref[...] = jnp.zeros((_BM, 128), jnp.int32)

    zc2 = lax.dot_general(z2_ref[...], c_ref[0], (((1,), (1,)), ((), ())),
                          preferred_element_type=jnp.float32)
    zz = zz_ref[...]
    cc = cc_ref[0, 0, :]

    lval = lval_ref[...]
    lgrp = lgrp_ref[...]
    for j in range(_JG):
        sl = (zz - zc2[:, j * 128:(j + 1) * 128]) + cc[j * 128:(j + 1) * 128]
        upd = sl < lval
        lgrp = jnp.where(upd, k * _JG + j, lgrp)
        lval = jnp.where(upd, sl, lval)
    lval_ref[...] = lval
    lgrp_ref[...] = lgrp

    lane = lax.broadcasted_iota(jnp.int32, (_BM, 128), 1)

    @pl.when(k == _HALF - 1)
    def _chunk0_done():
        v = lval_ref[...]
        m = jnp.min(v, axis=1, keepdims=True)
        cand = jnp.where(v == m, lgrp_ref[...] * 128 + lane, 2**31 - 1)
        bidx_ref[...] = jnp.min(cand, axis=1, keepdims=True)
        best_ref[...] = m.astype(jnp.bfloat16).astype(jnp.float32)

    @pl.when(k == _NK - 1)
    def _emit():
        v = lval_ref[...]
        m = jnp.min(v, axis=1, keepdims=True)
        cand = jnp.where(v == m, lgrp_ref[...] * 128 + lane, 2**31 - 1)
        ridx = jnp.min(cand, axis=1, keepdims=True)
        win = m < best_ref[...]
        idx_ref[0, 0, pl.ds(i * _BM, _BM)] = (
            jnp.where(win, ridx, bidx_ref[...]))[:, 0]


_argmin_call = pl.pallas_call(
    _argmin_body,
    grid=(_G, _NB, _NK),
    in_specs=[
        pl.BlockSpec((_BM, _D), lambda g, i, k: (i, 0)),
        pl.BlockSpec((1, _DG, _D), lambda g, i, k: (g, 0, 0)),
        pl.BlockSpec((1, _KT, _DG), lambda g, i, k: (g, k, 0)),
        pl.BlockSpec((1, 1, _KT), lambda g, i, k: (g, 0, k)),
    ],
    out_specs=pl.BlockSpec((1, 1, _B), lambda g, i, k: (g, 0, 0)),
    out_shape=jax.ShapeDtypeStruct((_G, 1, _B), jnp.int32),
    scratch_shapes=[
        pltpu.VMEM((_BM, _DG), jnp.float32),
        pltpu.VMEM((_BM, 1), jnp.float32),
        pltpu.VMEM((_BM, 128), jnp.float32),
        pltpu.VMEM((_BM, 128), jnp.int32),
        pltpu.VMEM((_BM, 1), jnp.float32),
        pltpu.VMEM((_BM, 1), jnp.int32),
    ],
)


_NC = 2
_NS = 16
_NW = _NC * _NS
_ROWS = _B * _G
_PER_W = _ROWS // _NW
_CH = 128
_NCH = _PER_W // _CH


def _gather_body(table_hbm, idx_hbm, out_hbm, idx_v, rows_v, sem):
    wid = lax.axis_index("s") * _NC + lax.axis_index("c")
    base = wid * _PER_W

    def _chunk(c, carry):
        off = base + c * _CH
        pltpu.sync_copy(idx_hbm.at[pl.ds(off, _CH)], idx_v)
        pltpu.async_copy(table_hbm.at[idx_v], rows_v, sem).wait()
        pltpu.sync_copy(rows_v, out_hbm.at[pl.ds(off, _CH)])
        return carry

    lax.fori_loop(0, _NCH, _chunk, 0)


@functools.cache
def _gather_call():
    return pl.kernel(
        _gather_body,
        out_type=jax.ShapeDtypeStruct((_ROWS, _DG), jnp.float32),
        mesh=plsc.VectorSubcoreMesh(core_axis_name="c", subcore_axis_name="s",
                                    num_cores=_NC, num_subcores=_NS),
        scratch_types=[
            pltpu.VMEM((_CH,), jnp.int32),
            pltpu.VMEM((_CH, _DG), jnp.float32),
            pltpu.SemaphoreType.DMA,
        ],
    )


_BL = 512
_NBL = _B // _BL


def _loss_body(q_ref, h_ref, out_ref, acc_ref):
    i = pl.program_id(0)

    @pl.when(i == 0)
    def _init():
        acc_ref[0, 0] = 0.0

    diff = q_ref[...] - h_ref[...]
    acc_ref[0, 0] += jnp.sum(diff * diff)

    @pl.when(i == _NBL - 1)
    def _emit():
        mean = acc_ref[0, 0] / (_B * _D)
        out_ref[0, 0] = mean + _BETA * mean


_loss_call = pl.pallas_call(
    _loss_body,
    grid=(_NBL,),
    in_specs=[
        pl.BlockSpec((_BL, _D), lambda i: (i, 0)),
        pl.BlockSpec((_BL, _D), lambda i: (i, 0)),
    ],
    out_specs=pl.BlockSpec(memory_space=pltpu.SMEM),
    out_shape=jax.ShapeDtypeStruct((1, 1), jnp.float32),
    scratch_shapes=[pltpu.SMEM((1, 1), jnp.float32)],
)


def kernel(h, projections, codebooks):
    cc = _cnorm_call(codebooks)
    idx3 = _argmin_call(h, projections, codebooks, cc)
    offs = (jnp.arange(_G, dtype=jnp.int32) * _K)[:, None]
    flat_idx = (idx3[:, 0, :] + offs).T.reshape(-1)
    table = codebooks.reshape(_G * _K, _DG)
    quant = _gather_call()(table, flat_idx).reshape(_B, _D)
    loss = _loss_call(quant, h)[0, 0]
    return quant, loss

# --- scband reference (transcript-rebuilt; emitter-appended) ---
"""Pipeline reference for scband-vcodebook-81501299409004 (READ-ONLY COPY).

The authoritative reference and input builder live on the scoring server;
editing this copy changes nothing except your own understanding.
"""

import jax, jax.numpy as jnp
import numpy as np

D = 2048
G = 8
K = 8192
DG = D // G
BETA = 0.25
B = 4096


def setup_inputs(seed: int = 0) -> dict:
    key = jax.random.key(seed)
    k1, k2, k3 = jax.random.split(key, 3)
    h = jax.random.normal(k1, (B, D), dtype=jnp.float32)
    projections = jax.random.normal(k2, (G, DG, D), dtype=jnp.float32) * 0.02
    codebooks = jax.random.normal(k3, (G, K, DG), dtype=jnp.float32) * 0.1
    return {"h": h, "projections": projections, "codebooks": codebooks}


def reference(h, projections, codebooks):
    # encode: per-group projection, nearest-codebook lookup, concat
    parts = []
    for g in range(G):
        z_g = h @ projections[g].T                      # [B, DG]  (F.linear)
        C_g = codebooks[g]                              # [K, DG]
        # squared euclidean distances (argmin identical to cdist argmin)
        d2 = (jnp.sum(z_g * z_g, axis=-1, keepdims=True)
              - 2.0 * (z_g @ C_g.T)
              + jnp.sum(C_g * C_g, axis=-1)[None, :])   # [B, K]
        idx = jnp.argmin(d2, axis=1)                    # [B]
        parts.append(jnp.take(C_g, idx, axis=0))        # F.embedding
    quantized = jnp.concatenate(parts, axis=1)          # [B, D]
    # VQ loss: codebook term + beta * commitment term
    loss_vq = (jnp.mean((jax.lax.stop_gradient(quantized) - h) ** 2)
               + BETA * jnp.mean((quantized - jax.lax.stop_gradient(h)) ** 2))
    # straight-through estimator
    quantized_st = h + jax.lax.stop_gradient(quantized - h)
    return (quantized_st, loss_vq)

if __name__ == "__main__":
    import jax
    _d = setup_inputs()
    print(jax.jit(kernel)(*tuple(_d.values())))

</pallas_src>

<mosaic_0001>
#map = affine_map<(d0, d1) -> (0, 0)>
#map1 = affine_map<(d0, d1) -> (0)>
module attributes {stable_mosaic.version = 14 : i64} {
  func.func @_gather_body(%arg0: i32, %arg1: i32, %arg2: memref<65536x256xf32, #tpu.memory_space<hbm>>, %arg3: memref<32768xi32, #tpu.memory_space<hbm>>, %arg4: memref<32768x256xf32, #tpu.memory_space<hbm>>, %arg5: memref<128xi32, #tpu.memory_space<vmem>>, %arg6: memref<128x256xf32, #tpu.memory_space<vmem>>, %arg7: memref<!tpu.dma_semaphore, #tpu.memory_space<semaphore_mem>>) attributes {dimension_semantics = [#tpu.dimension_semantics<core_parallel>, #tpu.dimension_semantics<subcore_parallel>], iteration_bounds = array<i64: 2, 16>, scalar_prefetch = 0 : i64, scratch_operands = 3 : i64, tpu.core_type = #tpu.core_type<sc_vector_subcore>, window_params = [{transform_indices = #map}, {transform_indices = #map1}, {transform_indices = #map}]} {
    %mul3A = arith.constant 2 : i32
    %mul3A_0 = arith.muli %arg1, %mul3A : i32
    %add3A = arith.addi %mul3A_0, %arg0 : i32
    %mul3A_1 = arith.constant 1024 : i32
    %mul3A_2 = arith.muli %add3A, %mul3A_1 : i32
    %scan3A = arith.constant 0 : i32
    %scan3A_3 = arith.constant 0 : i32
    %scan3A_4 = arith.constant 8 : i32
    %scan3A_5 = arith.addi %scan3A_3, %scan3A_4 : i32
    %scan3A_6 = arith.constant 1 : i32
    scf.for %scan3A_8 = %scan3A_3 to %scan3A_5 step %scan3A_6  : i32 {
      %mul3A_9 = arith.constant 128 : i32
      %mul3A_10 = arith.muli %scan3A_8, %mul3A_9 : i32
      %add3A_11 = arith.addi %mul3A_2, %mul3A_10 : i32
      "tpu.region"() ({
        %run_scoped3A = tpu.sem_alloc : memref<!tpu.dma_semaphore, #tpu.memory_space<semaphore_mem>>
        %dma_start3A_16 = tpu.memref_slice %arg3[%add3A_11] : memref<32768xi32, #tpu.memory_space<hbm>> -> memref<128xi32, #tpu.memory_space<hbm>>
        %dma_start3A_17 = tpu.memref_slice %arg3[%add3A_11] : memref<32768xi32, #tpu.memory_space<hbm>> -> memref<128xi32, #tpu.memory_space<hbm>>
        tpu.enqueue_dma source(%dma_start3A_17 : memref<128xi32, #tpu.memory_space<hbm>>) target(%arg5 : memref<128xi32, #tpu.memory_space<vmem>>) target_semaphore(%run_scoped3A : memref<!tpu.dma_semaphore, #tpu.memory_space<semaphore_mem>>)
        %dma_wait3A_18 = tpu.memref_slice %arg3[%add3A_11] : memref<32768xi32, #tpu.memory_space<hbm>> -> memref<128xi32, #tpu.memory_space<hbm>>
        %dma_wait3A_19 = tpu.memref_slice %arg3[%add3A_11] : memref<32768xi32, #tpu.memory_space<hbm>> -> memref<128xi32, #tpu.memory_space<hbm>>
        tpu.wait_dma2 semaphore(%run_scoped3A : memref<!tpu.dma_semaphore, #tpu.memory_space<semaphore_mem>>) src(%dma_wait3A_19 : memref<128xi32, #tpu.memory_space<hbm>>) dst(%arg5 : memref<128xi32, #tpu.memory_space<vmem>>)
        tpu.yield
      }) : () -> ()
      %dma_start3A = arith.constant 0 : i32
      %dma_start3A_12 = arith.constant 0 : i32
      %dma_start3A_13 = tpu.memref_slice %arg2[%dma_start3A, %dma_start3A_12] : memref<65536x256xf32, #tpu.memory_space<hbm>> -> memref<65536x256xf32, #tpu.memory_space<hbm>>
      tpu.enqueue_indirect_dma source(%dma_start3A_13 : memref<65536x256xf32, #tpu.memory_space<hbm>>) target(%arg6 : memref<128x256xf32, #tpu.memory_space<vmem>>) offsets(%arg5 : memref<128xi32, #tpu.memory_space<vmem>>) semaphore(%arg7 : memref<!tpu.dma_semaphore, #tpu.memory_space<semaphore_mem>>)
      %dma_wait3A = arith.constant 0 : i32
      %dma_wait3A_14 = arith.constant 0 : i32
      %dma_wait3A_15 = tpu.memref_slice %arg2[%dma_wait3A, %dma_wait3A_14] : memref<65536x256xf32, #tpu.memory_space<hbm>> -> memref<65536x256xf32, #tpu.memory_space<hbm>>
      tpu.wait_indirect_dma semaphore(%arg7 : memref<!tpu.dma_semaphore, #tpu.memory_space<semaphore_mem>>) src(%dma_wait3A_15 : memref<65536x256xf32, #tpu.memory_space<hbm>>) dst(%arg6 : memref<128x256xf32, #tpu.memory_space<vmem>>)
      "tpu.region"() ({
        %run_scoped3A = tpu.sem_alloc : memref<!tpu.dma_semaphore, #tpu.memory_space<semaphore_mem>>
        %dma_start3A_16 = arith.constant 0 : i32
        %dma_start3A_17 = tpu.memref_slice %arg4[%add3A_11, %dma_start3A_16] : memref<32768x256xf32, #tpu.memory_space<hbm>> -> memref<128x256xf32, #tpu.memory_space<hbm>>
        %dma_start3A_18 = arith.constant 0 : i32
        %dma_start3A_19 = tpu.memref_slice %arg4[%add3A_11, %dma_start3A_18] : memref<32768x256xf32, #tpu.memory_space<hbm>> -> memref<128x256xf32, #tpu.memory_space<hbm>>
        tpu.enqueue_dma source(%arg6 : memref<128x256xf32, #tpu.memory_space<vmem>>) target(%dma_start3A_19 : memref<128x256xf32, #tpu.memory_space<hbm>>) target_semaphore(%run_scoped3A : memref<!tpu.dma_semaphore, #tpu.memory_space<semaphore_mem>>)
        %dma_wait3A_20 = arith.constant 0 : i32
        %dma_wait3A_21 = tpu.memref_slice %arg4[%add3A_11, %dma_wait3A_20] : memref<32768x256xf32, #tpu.memory_space<hbm>> -> memref<128x256xf32, #tpu.memory_space<hbm>>
        %dma_wait3A_22 = arith.constant 0 : i32
        %dma_wait3A_23 = tpu.memref_slice %arg4[%add3A_11, %dma_wait3A_22] : memref<32768x256xf32, #tpu.memory_space<hbm>> -> memref<128x256xf32, #tpu.memory_space<hbm>>
        tpu.wait_dma2 semaphore(%run_scoped3A : memref<!tpu.dma_semaphore, #tpu.memory_space<semaphore_mem>>) src(%arg6 : memref<128x256xf32, #tpu.memory_space<vmem>>) dst(%dma_wait3A_23 : memref<128x256xf32, #tpu.memory_space<hbm>>)
        tpu.yield
      }) : () -> ()
    }
    %scan3A_7 = arith.constant 8 : i32
    return
  }
}

module attributes {stable_mosaic.version = 14 : i64} {
  func.func @_cnorm_body(%arg0: i32, %arg1: memref<1x8192x256xf32, #tpu.memory_space<vmem>>, %arg2: memref<1x1x8192xf32, #tpu.memory_space<vmem>>) attributes {dimension_semantics = [#tpu.dimension_semantics<arbitrary>], iteration_bounds = array<i64: 8>, scalar_prefetch = 0 : i64, scratch_operands = 0 : i64, tpu.core_type = #tpu.core_type<tc>, window_params = [{transform_indices = @transform_0, window_bounds = array<i64: 1, 8192, 256>}, {transform_indices = @transform_1, window_bounds = array<i64: 1, 1, 8192>}]} {
    %get3A = arith.constant 0 : index
    %get3A_0 = arith.constant 0 : index
    %get3A_1 = arith.constant 0 : index
    %get3A_2 = vector.load %arg1[%get3A, %get3A_0, %get3A_1] : memref<1x8192x256xf32, #tpu.memory_space<vmem>>, vector<1x8192x256xf32>
    %get3A_3 = vector.shape_cast %get3A_2 : vector<1x8192x256xf32> to vector<8192x256xf32>
    %mul3A = arith.mulf %get3A_3, %get3A_3 : vector<8192x256xf32>
    %reduce_sum3A = arith.constant dense<0.000000e+00> : vector<8192xf32>
    %reduce_sum3A_4 = vector.multi_reduction <add>, %mul3A, %reduce_sum3A [1] : vector<8192x256xf32> to vector<8192xf32>
    %swap3A = arith.constant 0 : index
    %swap3A_5 = arith.constant 0 : index
    %swap3A_6 = arith.constant 0 : index
    %swap3A_7 = vector.load %arg2[%swap3A, %swap3A_5, %swap3A_6] : memref<1x1x8192xf32, #tpu.memory_space<vmem>>, vector<1x1x8192xf32>
    %swap3A_8 = vector.shape_cast %swap3A_7 : vector<1x1x8192xf32> to vector<8192xf32>
    %swap3A_9 = vector.shape_cast %reduce_sum3A_4 : vector<8192xf32> to vector<1x1x8192xf32>
    tpu.vector_store %arg2[%swap3A, %swap3A_5, %swap3A_6], %swap3A_9 {strides = array<i32>} : memref<1x1x8192xf32, #tpu.memory_space<vmem>>, vector<1x1x8192xf32>,
    return
  }
  func.func @transform_0(%arg0: i32) -> (i32, i32, i32) {
    %c0_i32 = arith.constant 0 : i32
    %c0_i32_0 = arith.constant 0 : i32
    %c0_i32_1 = arith.constant 0 : i32
    return %arg0, %c0_i32, %c0_i32_0 : i32, i32, i32
  }
  func.func @transform_1(%arg0: i32) -> (i32, i32, i32) {
    %c0_i32 = arith.constant 0 : i32
    %c0_i32_0 = arith.constant 0 : i32
    %c0_i32_1 = arith.constant 0 : i32
    return %arg0, %c0_i32, %c0_i32_0 : i32, i32, i32
  }
}

module attributes {stable_mosaic.version = 14 : i64} {
  func.func @_argmin_body(%arg0: i32, %arg1: i32, %arg2: i32, %arg3: memref<1024x2048xf32, #tpu.memory_space<vmem>>, %arg4: memref<1x256x2048xf32, #tpu.memory_space<vmem>>, %arg5: memref<1x4096x256xf32, #tpu.memory_space<vmem>>, %arg6: memref<1x1x4096xf32, #tpu.memory_space<vmem>>, %arg7: memref<1x1x4096xi32, #tpu.memory_space<vmem>>, %arg8: memref<1024x256xf32, #tpu.memory_space<vmem>>, %arg9: memref<1024x1xf32, #tpu.memory_space<vmem>>, %arg10: memref<1024x128xf32, #tpu.memory_space<vmem>>, %arg11: memref<1024x128xi32, #tpu.memory_space<vmem>>, %arg12: memref<1024x1xf32, #tpu.memory_space<vmem>>, %arg13: memref<1024x1xi32, #tpu.memory_space<vmem>>) attributes {dimension_semantics = [#tpu.dimension_semantics<arbitrary>, #tpu.dimension_semantics<arbitrary>, #tpu.dimension_semantics<arbitrary>], iteration_bounds = array<i64: 8, 4, 2>, scalar_prefetch = 0 : i64, scratch_operands = 6 : i64, tpu.core_type = #tpu.core_type<tc>, window_params = [{transform_indices = @transform_0, window_bounds = array<i64: 1024, 2048>}, {transform_indices = @transform_1, window_bounds = array<i64: 1, 256, 2048>}, {transform_indices = @transform_2, window_bounds = array<i64: 1, 4096, 256>}, {transform_indices = @transform_3, window_bounds = array<i64: 1, 1, 4096>}, {transform_indices = @transform_4, window_bounds = array<i64: 1, 1, 4096>}]} {
    %eq3A = arith.constant 0 : i32
    %eq3A_0 = arith.cmpi eq, %arg2, %eq3A : i32
    %convert_element_type3A = arith.extui %eq3A_0 : i1 to i32
    %cond3A = arith.constant 0 : i32
    %cond3A_1 = arith.cmpi ne, %convert_element_type3A, %cond3A : i32
    scf.if %cond3A_1 {
      %get3A_529 = arith.constant 0 : index
      %get3A_530 = arith.constant 0 : index
      %get3A_531 = vector.load %arg3[%get3A_529, %get3A_530] : memref<1024x2048xf32, #tpu.memory_space<vmem>>, vector<1024x2048xf32>
      %get3A_532 = arith.constant 0 : index
      %get3A_533 = arith.constant 0 : index
      %get3A_534 = arith.constant 0 : index
      %get3A_535 = vector.load %arg4[%get3A_532, %get3A_533, %get3A_534] : memref<1x256x2048xf32, #tpu.memory_space<vmem>>, vector<1x256x2048xf32>
      %get3A_536 = vector.shape_cast %get3A_535 : vector<1x256x2048xf32> to vector<256x2048xf32>
      %dot_general3A_537 = arith.constant dense<0.000000e+00> : vector<1024x256xf32>
      %dot_general3A_538 = tpu.matmul %get3A_531, %get3A_536, %dot_general3A_537 {dimension_numbers = #tpu.dot_dimension_numbers<[1], [1], [0], [0], [0, 0, 1, 0], [], []>, transpose_lhs_hint = false} : vector<1024x2048xf32>, vector<256x2048xf32>, vector<1024x256xf32> -> vector<1024x256xf32>
      %add3A_539 = arith.addf %dot_general3A_538, %dot_general3A_538 : vector<1024x256xf32>
      %swap3A_540 = arith.constant 0 : index
      %swap3A_541 = arith.constant 0 : index
      %swap3A_542 = vector.load %arg8[%swap3A_540, %swap3A_541] : memref<1024x256xf32, #tpu.memory_space<vmem>>, vector<1024x256xf32>
      tpu.vector_store %arg8[%swap3A_540, %swap3A_541], %add3A_539 {strides = array<i32>} : memref<1024x256xf32, #tpu.memory_space<vmem>>, vector<1024x256xf32>,
      %mul3A_543 = arith.mulf %dot_general3A_538, %dot_general3A_538 : vector<1024x256xf32>
      %reduce_sum3A = arith.constant dense<0.000000e+00> : vector<1024xf32>
      %reduce_sum3A_544 = vector.multi_reduction <add>, %mul3A_543, %reduce_sum3A [1] : vector<1024x256xf32> to vector<1024xf32>
      %broadcast_in_dim3A_545 = vector.shape_cast %reduce_sum3A_544 : vector<1024xf32> to vector<1024x1xf32>
      %swap3A_546 = arith.constant 0 : index
      %swap3A_547 = arith.constant 0 : index
      %swap3A_548 = vector.load %arg9[%swap3A_546, %swap3A_547] : memref<1024x1xf32, #tpu.memory_space<vmem>>, vector<1024x1xf32>
      tpu.vector_store %arg9[%swap3A_546, %swap3A_547], %broadcast_in_dim3A_545 {strides = array<i32>} : memref<1024x1xf32, #tpu.memory_space<vmem>>, vector<1024x1xf32>,
    } else {
    }
    %jit3A = arith.constant 1 : i32
    %eq3A_2 = arith.constant 0 : i32
    %eq3A_3 = arith.cmpi eq, %jit3A, %eq3A_2 : i32
    %jit3A_4 = arith.constant 1 : i32
    %select_n3A = arith.select %eq3A_3, %jit3A_4, %jit3A : i32
    %rem3A = arith.remsi %arg2, %select_n3A : i32
    %ne3A = arith.constant 0 : i32
    %ne3A_5 = arith.cmpi ne, %rem3A, %ne3A : i32
    %lt3A = arith.constant 0 : i32
    %lt3A_6 = arith.cmpi slt, %rem3A, %lt3A : i32
    %lt3A_7 = arith.constant 0 : i32
    %lt3A_8 = arith.cmpi slt, %select_n3A, %lt3A_7 : i32
    %ne3A_9 = arith.xori %lt3A_6, %lt3A_8 : i1
    %and3A = arith.andi %ne3A_9, %ne3A_5 : i1
    %add3A = arith.addi %rem3A, %select_n3A : i32
    %select_n3A_10 = arith.select %and3A, %add3A, %rem3A : i32
    %eq3A_11 = arith.constant 0 : i32
    %eq3A_12 = arith.cmpi eq, %select_n3A_10, %eq3A_11 : i32
    %convert_element_type3A_13 = arith.extui %eq3A_12 : i1 to i32
    %cond3A_14 = arith.constant 0 : i32
    %cond3A_15 = arith.cmpi ne, %convert_element_type3A_13, %cond3A_14 : i32
    scf.if %cond3A_15 {
      %broadcast_in_dim3A_529 = arith.constant 0x7F800000 : f32
      %broadcast_in_dim3A_530 = vector.broadcast %broadcast_in_dim3A_529 : f32 to vector<1024x128xf32>
      %swap3A_531 = arith.constant 0 : index
      %swap3A_532 = arith.constant 0 : index
      %swap3A_533 = vector.load %arg10[%swap3A_531, %swap3A_532] : memref<1024x128xf32, #tpu.memory_space<vmem>>, vector<1024x128xf32>
      tpu.vector_store %arg10[%swap3A_531, %swap3A_532], %broadcast_in_dim3A_530 {strides = array<i32>} : memref<1024x128xf32, #tpu.memory_space<vmem>>, vector<1024x128xf32>,
      %broadcast_in_dim3A_534 = arith.constant 0 : i32
      %broadcast_in_dim3A_535 = vector.broadcast %broadcast_in_dim3A_534 : i32 to vector<1024x128xi32>
      %swap3A_536 = arith.constant 0 : index
      %swap3A_537 = arith.constant 0 : index
      %swap3A_538 = vector.load %arg11[%swap3A_536, %swap3A_537] : memref<1024x128xi32, #tpu.memory_space<vmem>>, vector<1024x128xi32>
      tpu.vector_store %arg11[%swap3A_536, %swap3A_537], %broadcast_in_dim3A_535 {strides = array<i32>} : memref<1024x128xi32, #tpu.memory_space<vmem>>, vector<1024x128xi32>,
    } else {
    }
    %get3A = arith.constant 0 : index
    %get3A_16 = arith.constant 0 : index
    %get3A_17 = vector.load %arg8[%get3A, %get3A_16] : memref<1024x256xf32, #tpu.memory_space<vmem>>, vector<1024x256xf32>
    %get3A_18 = arith.constant 0 : index
    %get3A_19 = arith.constant 0 : index
    %get3A_20 = arith.constant 0 : index
    %get3A_21 = vector.load %arg5[%get3A_18, %get3A_19, %get3A_20] : memref<1x4096x256xf32, #tpu.memory_space<vmem>>, vector<1x4096x256xf32>
    %get3A_22 = vector.shape_cast %get3A_21 : vector<1x4096x256xf32> to vector<4096x256xf32>
    %dot_general3A = arith.constant dense<0.000000e+00> : vector<1024x4096xf32>
    %dot_general3A_23 = tpu.matmul %get3A_17, %get3A_22, %dot_general3A {dimension_numbers = #tpu.dot_dimension_numbers<[1], [1], [0], [0], [0, 0, 1, 0], [], []>, transpose_lhs_hint = false} : vector<1024x256xf32>, vector<4096x256xf32>, vector<1024x4096xf32> -> vector<1024x4096xf32>
    %get3A_24 = arith.constant 0 : index
    %get3A_25 = arith.constant 0 : index
    %get3A_26 = vector.load %arg9[%get3A_24, %get3A_25] : memref<1024x1xf32, #tpu.memory_space<vmem>>, vector<1024x1xf32>
    %get3A_27 = arith.constant 0 : index
    %get3A_28 = arith.constant 0 : index
    %get3A_29 = arith.constant 0 : index
    %get3A_30 = vector.load %arg6[%get3A_27, %get3A_28, %get3A_29] : memref<1x1x4096xf32, #tpu.memory_space<vmem>>, vector<1x1x4096xf32>
    %get3A_31 = vector.shape_cast %get3A_30 : vector<1x1x4096xf32> to vector<4096xf32>
    %get3A_32 = arith.constant 0 : index
    %get3A_33 = arith.constant 0 : index
    %get3A_34 = vector.load %arg10[%get3A_32, %get3A_33] : memref<1024x128xf32, #tpu.memory_space<vmem>>, vector<1024x128xf32>
    %get3A_35 = arith.constant 0 : index
    %get3A_36 = arith.constant 0 : index
    %get3A_37 = vector.load %arg11[%get3A_35, %get3A_36] : memref<1024x128xi32, #tpu.memory_space<vmem>>, vector<1024x128xi32>
    %slice3A = vector.extract_strided_slice %dot_general3A_23 {offsets = [0, 0], sizes = [1024, 128], strides = [1, 1]} : vector<1024x4096xf32> to vector<1024x128xf32>
    %sub3A = vector.broadcast %get3A_26 : vector<1024x1xf32> to vector<1024x128xf32>
    %sub3A_38 = arith.subf %sub3A, %slice3A : vector<1024x128xf32>
    %slice3A_39 = vector.extract_strided_slice %get3A_31 {offsets = [0], sizes = [128], strides = [1]} : vector<4096xf32> to vector<128xf32>
    %broadcast_in_dim3A = vector.shape_cast %slice3A_39 : vector<128xf32> to vector<1x128xf32>
    %add3A_40 = vector.broadcast %broadcast_in_dim3A : vector<1x128xf32> to vector<1024x128xf32>
    %add3A_41 = arith.addf %sub3A_38, %add3A_40 : vector<1024x128xf32>
    %lt3A_42 = arith.cmpf olt, %add3A_41, %get3A_34 : vector<1024x128xf32>
    %mul3A = arith.constant 32 : i32
    %mul3A_43 = arith.muli %arg2, %mul3A : i32
    %add3A_44 = arith.constant 0 : i32
    %add3A_45 = arith.addi %mul3A_43, %add3A_44 : i32
    %broadcast_in_dim3A_46 = vector.broadcast %add3A_45 : i32 to vector<1024x128xi32>
    %select_n3A_47 = arith.select %lt3A_42, %broadcast_in_dim3A_46, %get3A_37 : vector<1024x128xi1>, vector<1024x128xi32>
    %select_n3A_48 = arith.select %lt3A_42, %add3A_41, %get3A_34 : vector<1024x128xi1>, vector<1024x128xf32>
    %slice3A_49 = vector.extract_strided_slice %dot_general3A_23 {offsets = [0, 128], sizes = [1024, 128], strides = [1, 1]} : vector<1024x4096xf32> to vector<1024x128xf32>
    %sub3A_50 = vector.broadcast %get3A_26 : vector<1024x1xf32> to vector<1024x128xf32>
    %sub3A_51 = arith.subf %sub3A_50, %slice3A_49 : vector<1024x128xf32>
    %slice3A_52 = vector.extract_strided_slice %get3A_31 {offsets = [128], sizes = [128], strides = [1]} : vector<4096xf32> to vector<128xf32>
    %broadcast_in_dim3A_53 = vector.shape_cast %slice3A_52 : vector<128xf32> to vector<1x128xf32>
    %add3A_54 = vector.broadcast %broadcast_in_dim3A_53 : vector<1x128xf32> to vector<1024x128xf32>
    %add3A_55 = arith.addf %sub3A_51, %add3A_54 : vector<1024x128xf32>
    %lt3A_56 = arith.cmpf olt, %add3A_55, %select_n3A_48 : vector<1024x128xf32>
    %mul3A_57 = arith.constant 32 : i32
    %mul3A_58 = arith.muli %arg2, %mul3A_57 : i32
    %add3A_59 = arith.constant 1 : i32
    %add3A_60 = arith.addi %mul3A_58, %add3A_59 : i32
    %broadcast_in_dim3A_61 = vector.broadcast %add3A_60 : i32 to vector<1024x128xi32>
    %select_n3A_62 = arith.select %lt3A_56, %broadcast_in_dim3A_61, %select_n3A_47 : vector<1024x128xi1>, vector<1024x128xi32>
    %select_n3A_63 = arith.select %lt3A_56, %add3A_55, %select_n3A_48 : vector<1024x128xi1>, vector<1024x128xf32>
    %slice3A_64 = vector.extract_strided_slice %dot_general3A_23 {offsets = [0, 256], sizes = [1024, 128], strides = [1, 1]} : vector<1024x4096xf32> to vector<1024x128xf32>
    %sub3A_65 = vector.broadcast %get3A_26 : vector<1024x1xf32> to vector<1024x128xf32>
    %sub3A_66 = arith.subf %sub3A_65, %slice3A_64 : vector<1024x128xf32>
    %slice3A_67 = vector.extract_strided_slice %get3A_31 {offsets = [256], sizes = [128], strides = [1]} : vector<4096xf32> to vector<128xf32>
    %broadcast_in_dim3A_68 = vector.shape_cast %slice3A_67 : vector<128xf32> to vector<1x128xf32>
    %add3A_69 = vector.broadcast %broadcast_in_dim3A_68 : vector<1x128xf32> to vector<1024x128xf32>
    %add3A_70 = arith.addf %sub3A_66, %add3A_69 : vector<1024x128xf32>
    %lt3A_71 = arith.cmpf olt, %add3A_70, %select_n3A_63 : vector<1024x128xf32>
    %mul3A_72 = arith.constant 32 : i32
    %mul3A_73 = arith.muli %arg2, %mul3A_72 : i32
    %add3A_74 = arith.constant 2 : i32
    %add3A_75 = arith.addi %mul3A_73, %add3A_74 : i32
    %broadcast_in_dim3A_76 = vector.broadcast %add3A_75 : i32 to vector<1024x128xi32>
    %select_n3A_77 = arith.select %lt3A_71, %broadcast_in_dim3A_76, %select_n3A_62 : vector<1024x128xi1>, vector<1024x128xi32>
    %select_n3A_78 = arith.select %lt3A_71, %add3A_70, %select_n3A_63 : vector<1024x128xi1>, vector<1024x128xf32>
    %slice3A_79 = vector.extract_strided_slice %dot_general3A_23 {offsets = [0, 384], sizes = [1024, 128], strides = [1, 1]} : vector<1024x4096xf32> to vector<1024x128xf32>
    %sub3A_80 = vector.broadcast %get3A_26 : vector<1024x1xf32> to vector<1024x128xf32>
    %sub3A_81 = arith.subf %sub3A_80, %slice3A_79 : vector<1024x128xf32>
    %slice3A_82 = vector.extract_strided_slice %get3A_31 {offsets = [384], sizes = [128], strides = [1]} : vector<4096xf32> to vector<128xf32>
    %broadcast_in_dim3A_83 = vector.shape_cast %slice3A_82 : vector<128xf32> to vector<1x128xf32>
    %add3A_84 = vector.broadcast %broadcast_in_dim3A_83 : vector<1x128xf32> to vector<1024x128xf32>
    %add3A_85 = arith.addf %sub3A_81, %add3A_84 : vector<1024x128xf32>
    %lt3A_86 = arith.cmpf olt, %add3A_85, %select_n3A_78 : vector<1024x128xf32>
    %mul3A_87 = arith.constant 32 : i32
    %mul3A_88 = arith.muli %arg2, %mul3A_87 : i32
    %add3A_89 = arith.constant 3 : i32
    %add3A_90 = arith.addi %mul3A_88, %add3A_89 : i32
    %broadcast_in_dim3A_91 = vector.broadcast %add3A_90 : i32 to vector<1024x128xi32>
    %select_n3A_92 = arith.select %lt3A_86, %broadcast_in_dim3A_91, %select_n3A_77 : vector<1024x128xi1>, vector<1024x128xi32>
    %select_n3A_93 = arith.select %lt3A_86, %add3A_85, %select_n3A_78 : vector<1024x128xi1>, vector<1024x128xf32>
    %slice3A_94 = vector.extract_strided_slice %dot_general3A_23 {offsets = [0, 512], sizes = [1024, 128], strides = [1, 1]} : vector<1024x4096xf32> to vector<1024x128xf32>
    %sub3A_95 = vector.broadcast %get3A_26 : vector<1024x1xf32> to vector<1024x128xf32>
    %sub3A_96 = arith.subf %sub3A_95, %slice3A_94 : vector<1024x128xf32>
    %slice3A_97 = vector.extract_strided_slice %get3A_31 {offsets = [512], sizes = [128], strides = [1]} : vector<4096xf32> to vector<128xf32>
    %broadcast_in_dim3A_98 = vector.shape_cast %slice3A_97 : vector<128xf32> to vector<1x128xf32>
    %add3A_99 = vector.broadcast %broadcast_in_dim3A_98 : vector<1x128xf32> to vector<1024x128xf32>
    %add3A_100 = arith.addf %sub3A_96, %add3A_99 : vector<1024x128xf32>
    %lt3A_101 = arith.cmpf olt, %add3A_100, %select_n3A_93 : vector<1024x128xf32>
    %mul3A_102 = arith.constant 32 : i32
    %mul3A_103 = arith.muli %arg2, %mul3A_102 : i32
    %add3A_104 = arith.constant 4 : i32
    %add3A_105 = arith.addi %mul3A_103, %add3A_104 : i32
    %broadcast_in_dim3A_106 = vector.broadcast %add3A_105 : i32 to vector<1024x128xi32>
    %select_n3A_107 = arith.select %lt3A_101, %broadcast_in_dim3A_106, %select_n3A_92 : vector<1024x128xi1>, vector<1024x128xi32>
    %select_n3A_108 = arith.select %lt3A_101, %add3A_100, %select_n3A_93 : vector<1024x128xi1>, vector<1024x128xf32>
    %slice3A_109 = vector.extract_strided_slice %dot_general3A_23 {offsets = [0, 640], sizes = [1024, 128], strides = [1, 1]} : vector<1024x4096xf32> to vector<1024x128xf32>
    %sub3A_110 = vector.broadcast %get3A_26 : vector<1024x1xf32> to vector<1024x128xf32>
    %sub3A_111 = arith.subf %sub3A_110, %slice3A_109 : vector<1024x128xf32>
    %slice3A_112 = vector.extract_strided_slice %get3A_31 {offsets = [640], sizes = [128], strides = [1]} : vector<4096xf32> to vector<128xf32>
    %broadcast_in_dim3A_113 = vector.shape_cast %slice3A_112 : vector<128xf32> to vector<1x128xf32>
    %add3A_114 = vector.broadcast %broadcast_in_dim3A_113 : vector<1x128xf32> to vector<1024x128xf32>
    %add3A_115 = arith.addf %sub3A_111, %add3A_114 : vector<1024x128xf32>
    %lt3A_116 = arith.cmpf olt, %add3A_115, %select_n3A_108 : vector<1024x128xf32>
    %mul3A_117 = arith.constant 32 : i32
    %mul3A_118 = arith.muli %arg2, %mul3A_117 : i32
    %add3A_119 = arith.constant 5 : i32
    %add3A_120 = arith.addi %mul3A_118, %add3A_119 : i32
    %broadcast_in_dim3A_121 = vector.broadcast %add3A_120 : i32 to vector<1024x128xi32>
    %select_n3A_122 = arith.select %lt3A_116, %broadcast_in_dim3A_121, %select_n3A_107 : vector<1024x128xi1>, vector<1024x128xi32>
    %select_n3A_123 = arith.select %lt3A_116, %add3A_115, %select_n3A_108 : vector<1024x128xi1>, vector<1024x128xf32>
    %slice3A_124 = vector.extract_strided_slice %dot_general3A_23 {offsets = [0, 768], sizes = [1024, 128], strides = [1, 1]} : vector<1024x4096xf32> to vector<1024x128xf32>
    %sub3A_125 = vector.broadcast %get3A_26 : vector<1024x1xf32> to vector<1024x128xf32>
    %sub3A_126 = arith.subf %sub3A_125, %slice3A_124 : vector<1024x128xf32>
    %slice3A_127 = vector.extract_strided_slice %get3A_31 {offsets = [768], sizes = [128], strides = [1]} : vector<4096xf32> to vector<128xf32>
    %broadcast_in_dim3A_128 = vector.shape_cast %slice3A_127 : vector<128xf32> to vector<1x128xf32>
    %add3A_129 = vector.broadcast %broadcast_in_dim3A_128 : vector<1x128xf32> to vector<1024x128xf32>
    %add3A_130 = arith.addf %sub3A_126, %add3A_129 : vector<1024x128xf32>
    %lt3A_131 = arith.cmpf olt, %add3A_130, %select_n3A_123 : vector<1024x128xf32>
    %mul3A_132 = arith.constant 32 : i32
    %mul3A_133 = arith.muli %arg2, %mul3A_132 : i32
    %add3A_134 = arith.constant 6 : i32
    %add3A_135 = arith.addi %mul3A_133, %add3A_134 : i32
    %broadcast_in_dim3A_136 = vector.broadcast %add3A_135 : i32 to vector<1024x128xi32>
    %select_n3A_137 = arith.select %lt3A_131, %broadcast_in_dim3A_136, %select_n3A_122 : vector<1024x128xi1>, vector<1024x128xi32>
    %select_n3A_138 = arith.select %lt3A_131, %add3A_130, %select_n3A_123 : vector<1024x128xi1>, vector<1024x128xf32>
    %slice3A_139 = vector.extract_strided_slice %dot_general3A_23 {offsets = [0, 896], sizes = [1024, 128], strides = [1, 1]} : vector<1024x4096xf32> to vector<1024x128xf32>
    %sub3A_140 = vector.broadcast %get3A_26 : vector<1024x1xf32> to vector<1024x128xf32>
    %sub3A_141 = arith.subf %sub3A_140, %slice3A_139 : vector<1024x128xf32>
    %slice3A_142 = vector.extract_strided_slice %get3A_31 {offsets = [896], sizes = [128], strides = [1]} : vector<4096xf32> to vector<128xf32>
    %broadcast_in_dim3A_143 = vector.shape_cast %slice3A_142 : vector<128xf32> to vector<1x128xf32>
    %add3A_144 = vector.broadcast %broadcast_in_dim3A_143 : vector<1x128xf32> to vector<1024x128xf32>
    %add3A_145 = arith.addf %sub3A_141, %add3A_144 : vector<1024x128xf32>
    %lt3A_146 = arith.cmpf olt, %add3A_145, %select_n3A_138 : vector<1024x128xf32>
    %mul3A_147 = arith.constant 32 : i32
    %mul3A_148 = arith.muli %arg2, %mul3A_147 : i32
    %add3A_149 = arith.constant 7 : i32
    %add3A_150 = arith.addi %mul3A_148, %add3A_149 : i32
    %broadcast_in_dim3A_151 = vector.broadcast %add3A_150 : i32 to vector<1024x128xi32>
    %select_n3A_152 = arith.select %lt3A_146, %broadcast_in_dim3A_151, %select_n3A_137 : vector<1024x128xi1>, vector<1024x128xi32>
    %select_n3A_153 = arith.select %lt3A_146, %add3A_145, %select_n3A_138 : vector<1024x128xi1>, vector<1024x128xf32>
    %slice3A_154 = vector.extract_strided_slice %dot_general3A_23 {offsets = [0, 1024], sizes = [1024, 128], strides = [1, 1]} : vector<1024x4096xf32> to vector<1024x128xf32>
    %sub3A_155 = vector.broadcast %get3A_26 : vector<1024x1xf32> to vector<1024x128xf32>
    %sub3A_156 = arith.subf %sub3A_155, %slice3A_154 : vector<1024x128xf32>
    %slice3A_157 = vector.extract_strided_slice %get3A_31 {offsets = [1024], sizes = [128], strides = [1]} : vector<4096xf32> to vector<128xf32>
    %broadcast_in_dim3A_158 = vector.shape_cast %slice3A_157 : vector<128xf32> to vector<1x128xf32>
    %add3A_159 = vector.broadcast %broadcast_in_dim3A_158 : vector<1x128xf32> to vector<1024x128xf32>
    %add3A_160 = arith.addf %sub3A_156, %add3A_159 : vector<1024x128xf32>
    %lt3A_161 = arith.cmpf olt, %add3A_160, %select_n3A_153 : vector<1024x128xf32>
    %mul3A_162 = arith.constant 32 : i32
    %mul3A_163 = arith.muli %arg2, %mul3A_162 : i32
    %add3A_164 = arith.constant 8 : i32
    %add3A_165 = arith.addi %mul3A_163, %add3A_164 : i32
    %broadcast_in_dim3A_166 = vector.broadcast %add3A_165 : i32 to vector<1024x128xi32>
    %select_n3A_167 = arith.select %lt3A_161, %broadcast_in_dim3A_166, %select_n3A_152 : vector<1024x128xi1>, vector<1024x128xi32>
    %select_n3A_168 = arith.select %lt3A_161, %add3A_160, %select_n3A_153 : vector<1024x128xi1>, vector<1024x128xf32>
    %slice3A_169 = vector.extract_strided_slice %dot_general3A_23 {offsets = [0, 1152], sizes = [1024, 128], strides = [1, 1]} : vector<1024x4096xf32> to vector<1024x128xf32>
    %sub3A_170 = vector.broadcast %get3A_26 : vector<1024x1xf32> to vector<1024x128xf32>
    %sub3A_171 = arith.subf %sub3A_170, %slice3A_169 : vector<1024x128xf32>
    %slice3A_172 = vector.extract_strided_slice %get3A_31 {offsets = [1152], sizes = [128], strides = [1]} : vector<4096xf32> to vector<128xf32>
    %broadcast_in_dim3A_173 = vector.shape_cast %slice3A_172 : vector<128xf32> to vector<1x128xf32>
    %add3A_174 = vector.broadcast %broadcast_in_dim3A_173 : vector<1x128xf32> to vector<1024x128xf32>
    %add3A_175 = arith.addf %sub3A_171, %add3A_174 : vector<1024x128xf32>
    %lt3A_176 = arith.cmpf olt, %add3A_175, %select_n3A_168 : vector<1024x128xf32>
    %mul3A_177 = arith.constant 32 : i32
    %mul3A_178 = arith.muli %arg2, %mul3A_177 : i32
    %add3A_179 = arith.constant 9 : i32
    %add3A_180 = arith.addi %mul3A_178, %add3A_179 : i32
    %broadcast_in_dim3A_181 = vector.broadcast %add3A_180 : i32 to vector<1024x128xi32>
    %select_n3A_182 = arith.select %lt3A_176, %broadcast_in_dim3A_181, %select_n3A_167 : vector<1024x128xi1>, vector<1024x128xi32>
    %select_n3A_183 = arith.select %lt3A_176, %add3A_175, %select_n3A_168 : vector<1024x128xi1>, vector<1024x128xf32>
    %slice3A_184 = vector.extract_strided_slice %dot_general3A_23 {offsets = [0, 1280], sizes = [1024, 128], strides = [1, 1]} : vector<1024x4096xf32> to vector<1024x128xf32>
    %sub3A_185 = vector.broadcast %get3A_26 : vector<1024x1xf32> to vector<1024x128xf32>
    %sub3A_186 = arith.subf %sub3A_185, %slice3A_184 : vector<1024x128xf32>
    %slice3A_187 = vector.extract_strided_slice %get3A_31 {offsets = [1280], sizes = [128], strides = [1]} : vector<4096xf32> to vector<128xf32>
    %broadcast_in_dim3A_188 = vector.shape_cast %slice3A_187 : vector<128xf32> to vector<1x128xf32>
    %add3A_189 = vector.broadcast %broadcast_in_dim3A_188 : vector<1x128xf32> to vector<1024x128xf32>
    %add3A_190 = arith.addf %sub3A_186, %add3A_189 : vector<1024x128xf32>
    %lt3A_191 = arith.cmpf olt, %add3A_190, %select_n3A_183 : vector<1024x128xf32>
    %mul3A_192 = arith.constant 32 : i32
    %mul3A_193 = arith.muli %arg2, %mul3A_192 : i32
    %add3A_194 = arith.constant 10 : i32
    %add3A_195 = arith.addi %mul3A_193, %add3A_194 : i32
    %broadcast_in_dim3A_196 = vector.broadcast %add3A_195 : i32 to vector<1024x128xi32>
    %select_n3A_197 = arith.select %lt3A_191, %broadcast_in_dim3A_196, %select_n3A_182 : vector<1024x128xi1>, vector<1024x128xi32>
    %select_n3A_198 = arith.select %lt3A_191, %add3A_190, %select_n3A_183 : vector<1024x128xi1>, vector<1024x128xf32>
    %slice3A_199 = vector.extract_strided_slice %dot_general3A_23 {offsets = [0, 1408], sizes = [1024, 128], strides = [1, 1]} : vector<1024x4096xf32> to vector<1024x128xf32>
    %sub3A_200 = vector.broadcast %get3A_26 : vector<1024x1xf32> to vector<1024x128xf32>
    %sub3A_201 = arith.subf %sub3A_200, %slice3A_199 : vector<1024x128xf32>
    %slice3A_202 = vector.extract_strided_slice %get3A_31 {offsets = [1408], sizes = [128], strides = [1]} : vector<4096xf32> to vector<128xf32>
    %broadcast_in_dim3A_203 = vector.shape_cast %slice3A_202 : vector<128xf32> to vector<1x128xf32>
    %add3A_204 = vector.broadcast %broadcast_in_dim3A_203 : vector<1x128xf32> to vector<1024x128xf32>
    %add3A_205 = arith.addf %sub3A_201, %add3A_204 : vector<1024x128xf32>
    %lt3A_206 = arith.cmpf olt, %add3A_205, %select_n3A_198 : vector<1024x128xf32>
    %mul3A_207 = arith.constant 32 : i32
    %mul3A_208 = arith.muli %arg2, %mul3A_207 : i32
    %add3A_209 = arith.constant 11 : i32
    %add3A_210 = arith.addi %mul3A_208, %add3A_209 : i32
    %broadcast_in_dim3A_211 = vector.broadcast %add3A_210 : i32 to vector<1024x128xi32>
    %select_n3A_212 = arith.select %lt3A_206, %broadcast_in_dim3A_211, %select_n3A_197 : vector<1024x128xi1>, vector<1024x128xi32>
    %select_n3A_213 = arith.select %lt3A_206, %add3A_205, %select_n3A_198 : vector<1024x128xi1>, vector<1024x128xf32>
    %slice3A_214 = vector.extract_strided_slice %dot_general3A_23 {offsets = [0, 1536], sizes = [1024, 128], strides = [1, 1]} : vector<1024x4096xf32> to vector<1024x128xf32>
    %sub3A_215 = vector.broadcast %get3A_26 : vector<1024x1xf32> to vector<1024x128xf32>
    %sub3A_216 = arith.subf %sub3A_215, %slice3A_214 : vector<1024x128xf32>
    %slice3A_217 = vector.extract_strided_slice %get3A_31 {offsets = [1536], sizes = [128], strides = [1]} : vector<4096xf32> to vector<128xf32>
    %broadcast_in_dim3A_218 = vector.shape_cast %slice3A_217 : vector<128xf32> to vector<1x128xf32>
    %add3A_219 = vector.broadcast %broadcast_in_dim3A_218 : vector<1x128xf32> to vector<1024x128xf32>
    %add3A_220 = arith.addf %sub3A_216, %add3A_219 : vector<1024x128xf32>
    %lt3A_221 = arith.cmpf olt, %add3A_220, %select_n3A_213 : vector<1024x128xf32>
    %mul3A_222 = arith.constant 32 : i32
    %mul3A_223 = arith.muli %arg2, %mul3A_222 : i32
    %add3A_224 = arith.constant 12 : i32
    %add3A_225 = arith.addi %mul3A_223, %add3A_224 : i32
    %broadcast_in_dim3A_226 = vector.broadcast %add3A_225 : i32 to vector<1024x128xi32>
    %select_n3A_227 = arith.select %lt3A_221, %broadcast_in_dim3A_226, %select_n3A_212 : vector<1024x128xi1>, vector<1024x128xi32>
    %select_n3A_228 = arith.select %lt3A_221, %add3A_220, %select_n3A_213 : vector<1024x128xi1>, vector<1024x128xf32>
    %slice3A_229 = vector.extract_strided_slice %dot_general3A_23 {offsets = [0, 1664], sizes = [1024, 128], strides = [1, 1]} : vector<1024x4096xf32> to vector<1024x128xf32>
    %sub3A_230 = vector.broadcast %get3A_26 : vector<1024x1xf32> to vector<1024x128xf32>
    %sub3A_231 = arith.subf %sub3A_230, %slice3A_229 : vector<1024x128xf32>
    %slice3A_232 = vector.extract_strided_slice %get3A_31 {offsets = [1664], sizes = [128], strides = [1]} : vector<4096xf32> to vector<128xf32>
    %broadcast_in_dim3A_233 = vector.shape_cast %slice3A_232 : vector<128xf32> to vector<1x128xf32>
    %add3A_234 = vector.broadcast %broadcast_in_dim3A_233 : vector<1x128xf32> to vector<1024x128xf32>
    %add3A_235 = arith.addf %sub3A_231, %add3A_234 : vector<1024x128xf32>
    %lt3A_236 = arith.cmpf olt, %add3A_235, %select_n3A_228 : vector<1024x128xf32>
    %mul3A_237 = arith.constant 32 : i32
    %mul3A_238 = arith.muli %arg2, %mul3A_237 : i32
    %add3A_239 = arith.constant 13 : i32
    %add3A_240 = arith.addi %mul3A_238, %add3A_239 : i32
    %broadcast_in_dim3A_241 = vector.broadcast %add3A_240 : i32 to vector<1024x128xi32>
    %select_n3A_242 = arith.select %lt3A_236, %broadcast_in_dim3A_241, %select_n3A_227 : vector<1024x128xi1>, vector<1024x128xi32>
    %select_n3A_243 = arith.select %lt3A_236, %add3A_235, %select_n3A_228 : vector<1024x128xi1>, vector<1024x128xf32>
    %slice3A_244 = vector.extract_strided_slice %dot_general3A_23 {offsets = [0, 1792], sizes = [1024, 128], strides = [1, 1]} : vector<1024x4096xf32> to vector<1024x128xf32>
    %sub3A_245 = vector.broadcast %get3A_26 : vector<1024x1xf32> to vector<1024x128xf32>
    %sub3A_246 = arith.subf %sub3A_245, %slice3A_244 : vector<1024x128xf32>
    %slice3A_247 = vector.extract_strided_slice %get3A_31 {offsets = [1792], sizes = [128], strides = [1]} : vector<4096xf32> to vector<128xf32>
    %broadcast_in_dim3A_248 = vector.shape_cast %slice3A_247 : vector<128xf32> to vector<1x128xf32>
    %add3A_249 = vector.broadcast %broadcast_in_dim3A_248 : vector<1x128xf32> to vector<1024x128xf32>
    %add3A_250 = arith.addf %sub3A_246, %add3A_249 : vector<1024x128xf32>
    %lt3A_251 = arith.cmpf olt, %add3A_250, %select_n3A_243 : vector<1024x128xf32>
    %mul3A_252 = arith.constant 32 : i32
    %mul3A_253 = arith.muli %arg2, %mul3A_252 : i32
    %add3A_254 = arith.constant 14 : i32
    %add3A_255 = arith.addi %mul3A_253, %add3A_254 : i32
    %broadcast_in_dim3A_256 = vector.broadcast %add3A_255 : i32 to vector<1024x128xi32>
    %select_n3A_257 = arith.select %lt3A_251, %broadcast_in_dim3A_256, %select_n3A_242 : vector<1024x128xi1>, vector<1024x128xi32>
    %select_n3A_258 = arith.select %lt3A_251, %add3A_250, %select_n3A_243 : vector<1024x128xi1>, vector<1024x128xf32>
    %slice3A_259 = vector.extract_strided_slice %dot_general3A_23 {offsets = [0, 1920], sizes = [1024, 128], strides = [1, 1]} : vector<1024x4096xf32> to vector<1024x128xf32>
    %sub3A_260 = vector.broadcast %get3A_26 : vector<1024x1xf32> to vector<1024x128xf32>
    %sub3A_261 = arith.subf %sub3A_260, %slice3A_259 : vector<1024x128xf32>
    %slice3A_262 = vector.extract_strided_slice %get3A_31 {offsets = [1920], sizes = [128], strides = [1]} : vector<4096xf32> to vector<128xf32>
    %broadcast_in_dim3A_263 = vector.shape_cast %slice3A_262 : vector<128xf32> to vector<1x128xf32>
    %add3A_264 = vector.broadcast %broadcast_in_dim3A_263 : vector<1x128xf32> to vector<1024x128xf32>
    %add3A_265 = arith.addf %sub3A_261, %add3A_264 : vector<1024x128xf32>
    %lt3A_266 = arith.cmpf olt, %add3A_265, %select_n3A_258 : vector<1024x128xf32>
    %mul3A_267 = arith.constant 32 : i32
    %mul3A_268 = arith.muli %arg2, %mul3A_267 : i32
    %add3A_269 = arith.constant 15 : i32
    %add3A_270 = arith.addi %mul3A_268, %add3A_269 : i32
    %broadcast_in_dim3A_271 = vector.broadcast %add3A_270 : i32 to vector<1024x128xi32>
    %select_n3A_272 = arith.select %lt3A_266, %broadcast_in_dim3A_271, %select_n3A_257 : vector<1024x128xi1>, vector<1024x128xi32>
    %select_n3A_273 = arith.select %lt3A_266, %add3A_265, %select_n3A_258 : vector<1024x128xi1>, vector<1024x128xf32>
    %slice3A_274 = vector.extract_strided_slice %dot_general3A_23 {offsets = [0, 2048], sizes = [1024, 128], strides = [1, 1]} : vector<1024x4096xf32> to vector<1024x128xf32>
    %sub3A_275 = vector.broadcast %get3A_26 : vector<1024x1xf32> to vector<1024x128xf32>
    %sub3A_276 = arith.subf %sub3A_275, %slice3A_274 : vector<1024x128xf32>
    %slice3A_277 = vector.extract_strided_slice %get3A_31 {offsets = [2048], sizes = [128], strides = [1]} : vector<4096xf32> to vector<128xf32>
    %broadcast_in_dim3A_278 = vector.shape_cast %slice3A_277 : vector<128xf32> to vector<1x128xf32>
    %add3A_279 = vector.broadcast %broadcast_in_dim3A_278 : vector<1x128xf32> to vector<1024x128xf32>
    %add3A_280 = arith.addf %sub3A_276, %add3A_279 : vector<1024x128xf32>
    %lt3A_281 = arith.cmpf olt, %add3A_280, %select_n3A_273 : vector<1024x128xf32>
    %mul3A_282 = arith.constant 32 : i32
    %mul3A_283 = arith.muli %arg2, %mul3A_282 : i32
    %add3A_284 = arith.constant 16 : i32
    %add3A_285 = arith.addi %mul3A_283, %add3A_284 : i32
    %broadcast_in_dim3A_286 = vector.broadcast %add3A_285 : i32 to vector<1024x128xi32>
    %select_n3A_287 = arith.select %lt3A_281, %broadcast_in_dim3A_286, %select_n3A_272 : vector<1024x128xi1>, vector<1024x128xi32>
    %select_n3A_288 = arith.select %lt3A_281, %add3A_280, %select_n3A_273 : vector<1024x128xi1>, vector<1024x128xf32>
    %slice3A_289 = vector.extract_strided_slice %dot_general3A_23 {offsets = [0, 2176], sizes = [1024, 128], strides = [1, 1]} : vector<1024x4096xf32> to vector<1024x128xf32>
    %sub3A_290 = vector.broadcast %get3A_26 : vector<1024x1xf32> to vector<1024x128xf32>
    %sub3A_291 = arith.subf %sub3A_290, %slice3A_289 : vector<1024x128xf32>
    %slice3A_292 = vector.extract_strided_slice %get3A_31 {offsets = [2176], sizes = [128], strides = [1]} : vector<4096xf32> to vector<128xf32>
    %broadcast_in_dim3A_293 = vector.shape_cast %slice3A_292 : vector<128xf32> to vector<1x128xf32>
    %add3A_294 = vector.broadcast %broadcast_in_dim3A_293 : vector<1x128xf32> to vector<1024x128xf32>
    %add3A_295 = arith.addf %sub3A_291, %add3A_294 : vector<1024x128xf32>
    %lt3A_296 = arith.cmpf olt, %add3A_295, %select_n3A_288 : vector<1024x128xf32>
    %mul3A_297 = arith.constant 32 : i32
    %mul3A_298 = arith.muli %arg2, %mul3A_297 : i32
    %add3A_299 = arith.constant 17 : i32
    %add3A_300 = arith.addi %mul3A_298, %add3A_299 : i32
    %broadcast_in_dim3A_301 = vector.broadcast %add3A_300 : i32 to vector<1024x128xi32>
    %select_n3A_302 = arith.select %lt3A_296, %broadcast_in_dim3A_301, %select_n3A_287 : vector<1024x128xi1>, vector<1024x128xi32>
    %select_n3A_303 = arith.select %lt3A_296, %add3A_295, %select_n3A_288 : vector<1024x128xi1>, vector<1024x128xf32>
    %slice3A_304 = vector.extract_strided_slice %dot_general3A_23 {offsets = [0, 2304], sizes = [1024, 128], strides = [1, 1]} : vector<1024x4096xf32> to vector<1024x128xf32>
    %sub3A_305 = vector.broadcast %get3A_26 : vector<1024x1xf32> to vector<1024x128xf32>
    %sub3A_306 = arith.subf %sub3A_305, %slice3A_304 : vector<1024x128xf32>
    %slice3A_307 = vector.extract_strided_slice %get3A_31 {offsets = [2304], sizes = [128], strides = [1]} : vector<4096xf32> to vector<128xf32>
    %broadcast_in_dim3A_308 = vector.shape_cast %slice3A_307 : vector<128xf32> to vector<1x128xf32>
    %add3A_309 = vector.broadcast %broadcast_in_dim3A_308 : vector<1x128xf32> to vector<1024x128xf32>
    %add3A_310 = arith.addf %sub3A_306, %add3A_309 : vector<1024x128xf32>
    %lt3A_311 = arith.cmpf olt, %add3A_310, %select_n3A_303 : vector<1024x128xf32>
    %mul3A_312 = arith.constant 32 : i32
    %mul3A_313 = arith.muli %arg2, %mul3A_312 : i32
    %add3A_314 = arith.constant 18 : i32
    %add3A_315 = arith.addi %mul3A_313, %add3A_314 : i32
    %broadcast_in_dim3A_316 = vector.broadcast %add3A_315 : i32 to vector<1024x128xi32>
    %select_n3A_317 = arith.select %lt3A_311, %broadcast_in_dim3A_316, %select_n3A_302 : vector<1024x128xi1>, vector<1024x128xi32>
    %select_n3A_318 = arith.select %lt3A_311, %add3A_310, %select_n3A_303 : vector<1024x128xi1>, vector<1024x128xf32>
    %slice3A_319 = vector.extract_strided_slice %dot_general3A_23 {offsets = [0, 2432], sizes = [1024, 128], strides = [1, 1]} : vector<1024x4096xf32> to vector<1024x128xf32>
    %sub3A_320 = vector.broadcast %get3A_26 : vector<1024x1xf32> to vector<1024x128xf32>
    %sub3A_321 = arith.subf %sub3A_320, %slice3A_319 : vector<1024x128xf32>
    %slice3A_322 = vector.extract_strided_slice %get3A_31 {offsets = [2432], sizes = [128], strides = [1]} : vector<4096xf32> to vector<128xf32>
    %broadcast_in_dim3A_323 = vector.shape_cast %slice3A_322 : vector<128xf32> to vector<1x128xf32>
    %add3A_324 = vector.broadcast %broadcast_in_dim3A_323 : vector<1x128xf32> to vector<1024x128xf32>
    %add3A_325 = arith.addf %sub3A_321, %add3A_324 : vector<1024x128xf32>
    %lt3A_326 = arith.cmpf olt, %add3A_325, %select_n3A_318 : vector<1024x128xf32>
    %mul3A_327 = arith.constant 32 : i32
    %mul3A_328 = arith.muli %arg2, %mul3A_327 : i32
    %add3A_329 = arith.constant 19 : i32
    %add3A_330 = arith.addi %mul3A_328, %add3A_329 : i32
    %broadcast_in_dim3A_331 = vector.broadcast %add3A_330 : i32 to vector<1024x128xi32>
    %select_n3A_332 = arith.select %lt3A_326, %broadcast_in_dim3A_331, %select_n3A_317 : vector<1024x128xi1>, vector<1024x128xi32>
    %select_n3A_333 = arith.select %lt3A_326, %add3A_325, %select_n3A_318 : vector<1024x128xi1>, vector<1024x128xf32>
    %slice3A_334 = vector.extract_strided_slice %dot_general3A_23 {offsets = [0, 2560], sizes = [1024, 128], strides = [1, 1]} : vector<1024x4096xf32> to vector<1024x128xf32>
    %sub3A_335 = vector.broadcast %get3A_26 : vector<1024x1xf32> to vector<1024x128xf32>
    %sub3A_336 = arith.subf %sub3A_335, %slice3A_334 : vector<1024x128xf32>
    %slice3A_337 = vector.extract_strided_slice %get3A_31 {offsets = [2560], sizes = [128], strides = [1]} : vector<4096xf32> to vector<128xf32>
    %broadcast_in_dim3A_338 = vector.shape_cast %slice3A_337 : vector<128xf32> to vector<1x128xf32>
    %add3A_339 = vector.broadcast %broadcast_in_dim3A_338 : vector<1x128xf32> to vector<1024x128xf32>
    %add3A_340 = arith.addf %sub3A_336, %add3A_339 : vector<1024x128xf32>
    %lt3A_341 = arith.cmpf olt, %add3A_340, %select_n3A_333 : vector<1024x128xf32>
    %mul3A_342 = arith.constant 32 : i32
    %mul3A_343 = arith.muli %arg2, %mul3A_342 : i32
    %add3A_344 = arith.constant 20 : i32
    %add3A_345 = arith.addi %mul3A_343, %add3A_344 : i32
    %broadcast_in_dim3A_346 = vector.broadcast %add3A_345 : i32 to vector<1024x128xi32>
    %select_n3A_347 = arith.select %lt3A_341, %broadcast_in_dim3A_346, %select_n3A_332 : vector<1024x128xi1>, vector<1024x128xi32>
    %select_n3A_348 = arith.select %lt3A_341, %add3A_340, %select_n3A_333 : vector<1024x128xi1>, vector<1024x128xf32>
    %slice3A_349 = vector.extract_strided_slice %dot_general3A_23 {offsets = [0, 2688], sizes = [1024, 128], strides = [1, 1]} : vector<1024x4096xf32> to vector<1024x128xf32>
    %sub3A_350 = vector.broadcast %get3A_26 : vector<1024x1xf32> to vector<1024x128xf32>
    %sub3A_351 = arith.subf %sub3A_350, %slice3A_349 : vector<1024x128xf32>
    %slice3A_352 = vector.extract_strided_slice %get3A_31 {offsets = [2688], sizes = [128], strides = [1]} : vector<4096xf32> to vector<128xf32>
    %broadcast_in_dim3A_353 = vector.shape_cast %slice3A_352 : vector<128xf32> to vector<1x128xf32>
    %add3A_354 = vector.broadcast %broadcast_in_dim3A_353 : vector<1x128xf32> to vector<1024x128xf32>
    %add3A_355 = arith.addf %sub3A_351, %add3A_354 : vector<1024x128xf32>
    %lt3A_356 = arith.cmpf olt, %add3A_355, %select_n3A_348 : vector<1024x128xf32>
    %mul3A_357 = arith.constant 32 : i32
    %mul3A_358 = arith.muli %arg2, %mul3A_357 : i32
    %add3A_359 = arith.constant 21 : i32
    %add3A_360 = arith.addi %mul3A_358, %add3A_359 : i32
    %broadcast_in_dim3A_361 = vector.broadcast %add3A_360 : i32 to vector<1024x128xi32>
    %select_n3A_362 = arith.select %lt3A_356, %broadcast_in_dim3A_361, %select_n3A_347 : vector<1024x128xi1>, vector<1024x128xi32>
    %select_n3A_363 = arith.select %lt3A_356, %add3A_355, %select_n3A_348 : vector<1024x128xi1>, vector<1024x128xf32>
    %slice3A_364 = vector.extract_strided_slice %dot_general3A_23 {offsets = [0, 2816], sizes = [1024, 128], strides = [1, 1]} : vector<1024x4096xf32> to vector<1024x128xf32>
    %sub3A_365 = vector.broadcast %get3A_26 : vector<1024x1xf32> to vector<1024x128xf32>
    %sub3A_366 = arith.subf %sub3A_365, %slice3A_364 : vector<1024x128xf32>
    %slice3A_367 = vector.extract_strided_slice %get3A_31 {offsets = [2816], sizes = [128], strides = [1]} : vector<4096xf32> to vector<128xf32>
    %broadcast_in_dim3A_368 = vector.shape_cast %slice3A_367 : vector<128xf32> to vector<1x128xf32>
    %add3A_369 = vector.broadcast %broadcast_in_dim3A_368 : vector<1x128xf32> to vector<1024x128xf32>
    %add3A_370 = arith.addf %sub3A_366, %add3A_369 : vector<1024x128xf32>
    %lt3A_371 = arith.cmpf olt, %add3A_370, %select_n3A_363 : vector<1024x128xf32>
    %mul3A_372 = arith.constant 32 : i32
    %mul3A_373 = arith.muli %arg2, %mul3A_372 : i32
    %add3A_374 = arith.constant 22 : i32
    %add3A_375 = arith.addi %mul3A_373, %add3A_374 : i32
    %broadcast_in_dim3A_376 = vector.broadcast %add3A_375 : i32 to vector<1024x128xi32>
    %select_n3A_377 = arith.select %lt3A_371, %broadcast_in_dim3A_376, %select_n3A_362 : vector<1024x128xi1>, vector<1024x128xi32>
    %select_n3A_378 = arith.select %lt3A_371, %add3A_370, %select_n3A_363 : vector<1024x128xi1>, vector<1024x128xf32>
    %slice3A_379 = vector.extract_strided_slice %dot_general3A_23 {offsets = [0, 2944], sizes = [1024, 128], strides = [1, 1]} : vector<1024x4096xf32> to vector<1024x128xf32>
    %sub3A_380 = vector.broadcast %get3A_26 : vector<1024x1xf32> to vector<1024x128xf32>
    %sub3A_381 = arith.subf %sub3A_380, %slice3A_379 : vector<1024x128xf32>
    %slice3A_382 = vector.extract_strided_slice %get3A_31 {offsets = [2944], sizes = [128], strides = [1]} : vector<4096xf32> to vector<128xf32>
    %broadcast_in_dim3A_383 = vector.shape_cast %slice3A_382 : vector<128xf32> to vector<1x128xf32>
    %add3A_384 = vector.broadcast %broadcast_in_dim3A_383 : vector<1x128xf32> to vector<1024x128xf32>
    %add3A_385 = arith.addf %sub3A_381, %add3A_384 : vector<1024x128xf32>
    %lt3A_386 = arith.cmpf olt, %add3A_385, %select_n3A_378 : vector<1024x128xf32>
    %mul3A_387 = arith.constant 32 : i32
    %mul3A_388 = arith.muli %arg2, %mul3A_387 : i32
    %add3A_389 = arith.constant 23 : i32
    %add3A_390 = arith.addi %mul3A_388, %add3A_389 : i32
    %broadcast_in_dim3A_391 = vector.broadcast %add3A_390 : i32 to vector<1024x128xi32>
    %select_n3A_392 = arith.select %lt3A_386, %broadcast_in_dim3A_391, %select_n3A_377 : vector<1024x128xi1>, vector<1024x128xi32>
    %select_n3A_393 = arith.select %lt3A_386, %add3A_385, %select_n3A_378 : vector<1024x128xi1>, vector<1024x128xf32>
    %slice3A_394 = vector.extract_strided_slice %dot_general3A_23 {offsets = [0, 3072], sizes = [1024, 128], strides = [1, 1]} : vector<1024x4096xf32> to vector<1024x128xf32>
    %sub3A_395 = vector.broadcast %get3A_26 : vector<1024x1xf32> to vector<1024x128xf32>
    %sub3A_396 = arith.subf %sub3A_395, %slice3A_394 : vector<1024x128xf32>
    %slice3A_397 = vector.extract_strided_slice %get3A_31 {offsets = [3072], sizes = [128], strides = [1]} : vector<4096xf32> to vector<128xf32>
    %broadcast_in_dim3A_398 = vector.shape_cast %slice3A_397 : vector<128xf32> to vector<1x128xf32>
    %add3A_399 = vector.broadcast %broadcast_in_dim3A_398 : vector<1x128xf32> to vector<1024x128xf32>
    %add3A_400 = arith.addf %sub3A_396, %add3A_399 : vector<1024x128xf32>
    %lt3A_401 = arith.cmpf olt, %add3A_400, %select_n3A_393 : vector<1024x128xf32>
    %mul3A_402 = arith.constant 32 : i32
    %mul3A_403 = arith.muli %arg2, %mul3A_402 : i32
    %add3A_404 = arith.constant 24 : i32
    %add3A_405 = arith.addi %mul3A_403, %add3A_404 : i32
    %broadcast_in_dim3A_406 = vector.broadcast %add3A_405 : i32 to vector<1024x128xi32>
    %select_n3A_407 = arith.select %lt3A_401, %broadcast_in_dim3A_406, %select_n3A_392 : vector<1024x128xi1>, vector<1024x128xi32>
    %select_n3A_408 = arith.select %lt3A_401, %add3A_400, %select_n3A_393 : vector<1024x128xi1>, vector<1024x128xf32>
    %slice3A_409 = vector.extract_strided_slice %dot_general3A_23 {offsets = [0, 3200], sizes = [1024, 128], strides = [1, 1]} : vector<1024x4096xf32> to vector<1024x128xf32>
    %sub3A_410 = vector.broadcast %get3A_26 : vector<1024x1xf32> to vector<1024x128xf32>
    %sub3A_411 = arith.subf %sub3A_410, %slice3A_409 : vector<1024x128xf32>
    %slice3A_412 = vector.extract_strided_slice %get3A_31 {offsets = [3200], sizes = [128], strides = [1]} : vector<4096xf32> to vector<128xf32>
    %broadcast_in_dim3A_413 = vector.shape_cast %slice3A_412 : vector<128xf32> to vector<1x128xf32>
    %add3A_414 = vector.broadcast %broadcast_in_dim3A_413 : vector<1x128xf32> to vector<1024x128xf32>
    %add3A_415 = arith.addf %sub3A_411, %add3A_414 : vector<1024x128xf32>
    %lt3A_416 = arith.cmpf olt, %add3A_415, %select_n3A_408 : vector<1024x128xf32>
    %mul3A_417 = arith.constant 32 : i32
    %mul3A_418 = arith.muli %arg2, %mul3A_417 : i32
    %add3A_419 = arith.constant 25 : i32
    %add3A_420 = arith.addi %mul3A_418, %add3A_419 : i32
    %broadcast_in_dim3A_421 = vector.broadcast %add3A_420 : i32 to vector<1024x128xi32>
    %select_n3A_422 = arith.select %lt3A_416, %broadcast_in_dim3A_421, %select_n3A_407 : vector<1024x128xi1>, vector<1024x128xi32>
    %select_n3A_423 = arith.select %lt3A_416, %add3A_415, %select_n3A_408 : vector<1024x128xi1>, vector<1024x128xf32>
    %slice3A_424 = vector.extract_strided_slice %dot_general3A_23 {offsets = [0, 3328], sizes = [1024, 128], strides = [1, 1]} : vector<1024x4096xf32> to vector<1024x128xf32>
    %sub3A_425 = vector.broadcast %get3A_26 : vector<1024x1xf32> to vector<1024x128xf32>
    %sub3A_426 = arith.subf %sub3A_425, %slice3A_424 : vector<1024x128xf32>
    %slice3A_427 = vector.extract_strided_slice %get3A_31 {offsets = [3328], sizes = [128], strides = [1]} : vector<4096xf32> to vector<128xf32>
    %broadcast_in_dim3A_428 = vector.shape_cast %slice3A_427 : vector<128xf32> to vector<1x128xf32>
    %add3A_429 = vector.broadcast %broadcast_in_dim3A_428 : vector<1x128xf32> to vector<1024x128xf32>
    %add3A_430 = arith.addf %sub3A_426, %add3A_429 : vector<1024x128xf32>
    %lt3A_431 = arith.cmpf olt, %add3A_430, %select_n3A_423 : vector<1024x128xf32>
    %mul3A_432 = arith.constant 32 : i32
    %mul3A_433 = arith.muli %arg2, %mul3A_432 : i32
    %add3A_434 = arith.constant 26 : i32
    %add3A_435 = arith.addi %mul3A_433, %add3A_434 : i32
    %broadcast_in_dim3A_436 = vector.broadcast %add3A_435 : i32 to vector<1024x128xi32>
    %select_n3A_437 = arith.select %lt3A_431, %broadcast_in_dim3A_436, %select_n3A_422 : vector<1024x128xi1>, vector<1024x128xi32>
    %select_n3A_438 = arith.select %lt3A_431, %add3A_430, %select_n3A_423 : vector<1024x128xi1>, vector<1024x128xf32>
    %slice3A_439 = vector.extract_strided_slice %dot_general3A_23 {offsets = [0, 3456], sizes = [1024, 128], strides = [1, 1]} : vector<1024x4096xf32> to vector<1024x128xf32>
    %sub3A_440 = vector.broadcast %get3A_26 : vector<1024x1xf32> to vector<1024x128xf32>
    %sub3A_441 = arith.subf %sub3A_440, %slice3A_439 : vector<1024x128xf32>
    %slice3A_442 = vector.extract_strided_slice %get3A_31 {offsets = [3456], sizes = [128], strides = [1]} : vector<4096xf32> to vector<128xf32>
    %broadcast_in_dim3A_443 = vector.shape_cast %slice3A_442 : vector<128xf32> to vector<1x128xf32>
    %add3A_444 = vector.broadcast %broadcast_in_dim3A_443 : vector<1x128xf32> to vector<1024x128xf32>
    %add3A_445 = arith.addf %sub3A_441, %add3A_444 : vector<1024x128xf32>
    %lt3A_446 = arith.cmpf olt, %add3A_445, %select_n3A_438 : vector<1024x128xf32>
    %mul3A_447 = arith.constant 32 : i32
    %mul3A_448 = arith.muli %arg2, %mul3A_447 : i32
    %add3A_449 = arith.constant 27 : i32
    %add3A_450 = arith.addi %mul3A_448, %add3A_449 : i32
    %broadcast_in_dim3A_451 = vector.broadcast %add3A_450 : i32 to vector<1024x128xi32>
    %select_n3A_452 = arith.select %lt3A_446, %broadcast_in_dim3A_451, %select_n3A_437 : vector<1024x128xi1>, vector<1024x128xi32>
    %select_n3A_453 = arith.select %lt3A_446, %add3A_445, %select_n3A_438 : vector<1024x128xi1>, vector<1024x128xf32>
    %slice3A_454 = vector.extract_strided_slice %dot_general3A_23 {offsets = [0, 3584], sizes = [1024, 128], strides = [1, 1]} : vector<1024x4096xf32> to vector<1024x128xf32>
    %sub3A_455 = vector.broadcast %get3A_26 : vector<1024x1xf32> to vector<1024x128xf32>
    %sub3A_456 = arith.subf %sub3A_455, %slice3A_454 : vector<1024x128xf32>
    %slice3A_457 = vector.extract_strided_slice %get3A_31 {offsets = [3584], sizes = [128], strides = [1]} : vector<4096xf32> to vector<128xf32>
    %broadcast_in_dim3A_458 = vector.shape_cast %slice3A_457 : vector<128xf32> to vector<1x128xf32>
    %add3A_459 = vector.broadcast %broadcast_in_dim3A_458 : vector<1x128xf32> to vector<1024x128xf32>
    %add3A_460 = arith.addf %sub3A_456, %add3A_459 : vector<1024x128xf32>
    %lt3A_461 = arith.cmpf olt, %add3A_460, %select_n3A_453 : vector<1024x128xf32>
    %mul3A_462 = arith.constant 32 : i32
    %mul3A_463 = arith.muli %arg2, %mul3A_462 : i32
    %add3A_464 = arith.constant 28 : i32
    %add3A_465 = arith.addi %mul3A_463, %add3A_464 : i32
    %broadcast_in_dim3A_466 = vector.broadcast %add3A_465 : i32 to vector<1024x128xi32>
    %select_n3A_467 = arith.select %lt3A_461, %broadcast_in_dim3A_466, %select_n3A_452 : vector<1024x128xi1>, vector<1024x128xi32>
    %select_n3A_468 = arith.select %lt3A_461, %add3A_460, %select_n3A_453 : vector<1024x128xi1>, vector<1024x128xf32>
    %slice3A_469 = vector.extract_strided_slice %dot_general3A_23 {offsets = [0, 3712], sizes = [1024, 128], strides = [1, 1]} : vector<1024x4096xf32> to vector<1024x128xf32>
    %sub3A_470 = vector.broadcast %get3A_26 : vector<1024x1xf32> to vector<1024x128xf32>
    %sub3A_471 = arith.subf %sub3A_470, %slice3A_469 : vector<1024x128xf32>
    %slice3A_472 = vector.extract_strided_slice %get3A_31 {offsets = [3712], sizes = [128], strides = [1]} : vector<4096xf32> to vector<128xf32>
    %broadcast_in_dim3A_473 = vector.shape_cast %slice3A_472 : vector<128xf32> to vector<1x128xf32>
    %add3A_474 = vector.broadcast %broadcast_in_dim3A_473 : vector<1x128xf32> to vector<1024x128xf32>
    %add3A_475 = arith.addf %sub3A_471, %add3A_474 : vector<1024x128xf32>
    %lt3A_476 = arith.cmpf olt, %add3A_475, %select_n3A_468 : vector<1024x128xf32>
    %mul3A_477 = arith.constant 32 : i32
    %mul3A_478 = arith.muli %arg2, %mul3A_477 : i32
    %add3A_479 = arith.constant 29 : i32
    %add3A_480 = arith.addi %mul3A_478, %add3A_479 : i32
    %broadcast_in_dim3A_481 = vector.broadcast %add3A_480 : i32 to vector<1024x128xi32>
    %select_n3A_482 = arith.select %lt3A_476, %broadcast_in_dim3A_481, %select_n3A_467 : vector<1024x128xi1>, vector<1024x128xi32>
    %select_n3A_483 = arith.select %lt3A_476, %add3A_475, %select_n3A_468 : vector<1024x128xi1>, vector<1024x128xf32>
    %slice3A_484 = vector.extract_strided_slice %dot_general3A_23 {offsets = [0, 3840], sizes = [1024, 128], strides = [1, 1]} : vector<1024x4096xf32> to vector<1024x128xf32>
    %sub3A_485 = vector.broadcast %get3A_26 : vector<1024x1xf32> to vector<1024x128xf32>
    %sub3A_486 = arith.subf %sub3A_485, %slice3A_484 : vector<1024x128xf32>
    %slice3A_487 = vector.extract_strided_slice %get3A_31 {offsets = [3840], sizes = [128], strides = [1]} : vector<4096xf32> to vector<128xf32>
    %broadcast_in_dim3A_488 = vector.shape_cast %slice3A_487 : vector<128xf32> to vector<1x128xf32>
    %add3A_489 = vector.broadcast %broadcast_in_dim3A_488 : vector<1x128xf32> to vector<1024x128xf32>
    %add3A_490 = arith.addf %sub3A_486, %add3A_489 : vector<1024x128xf32>
    %lt3A_491 = arith.cmpf olt, %add3A_490, %select_n3A_483 : vector<1024x128xf32>
    %mul3A_492 = arith.constant 32 : i32
    %mul3A_493 = arith.muli %arg2, %mul3A_492 : i32
    %add3A_494 = arith.constant 30 : i32
    %add3A_495 = arith.addi %mul3A_493, %add3A_494 : i32
    %broadcast_in_dim3A_496 = vector.broadcast %add3A_495 : i32 to vector<1024x128xi32>
    %select_n3A_497 = arith.select %lt3A_491, %broadcast_in_dim3A_496, %select_n3A_482 : vector<1024x128xi1>, vector<1024x128xi32>
    %select_n3A_498 = arith.select %lt3A_491, %add3A_490, %select_n3A_483 : vector<1024x128xi1>, vector<1024x128xf32>
    %slice3A_499 = vector.extract_strided_slice %dot_general3A_23 {offsets = [0, 3968], sizes = [1024, 128], strides = [1, 1]} : vector<1024x4096xf32> to vector<1024x128xf32>
    %sub3A_500 = vector.broadcast %get3A_26 : vector<1024x1xf32> to vector<1024x128xf32>
    %sub3A_501 = arith.subf %sub3A_500, %slice3A_499 : vector<1024x128xf32>
    %slice3A_502 = vector.extract_strided_slice %get3A_31 {offsets = [3968], sizes = [128], strides = [1]} : vector<4096xf32> to vector<128xf32>
    %broadcast_in_dim3A_503 = vector.shape_cast %slice3A_502 : vector<128xf32> to vector<1x128xf32>
    %add3A_504 = vector.broadcast %broadcast_in_dim3A_503 : vector<1x128xf32> to vector<1024x128xf32>
    %add3A_505 = arith.addf %sub3A_501, %add3A_504 : vector<1024x128xf32>
    %lt3A_506 = arith.cmpf olt, %add3A_505, %select_n3A_498 : vector<1024x128xf32>
    %mul3A_507 = arith.constant 32 : i32
    %mul3A_508 = arith.muli %arg2, %mul3A_507 : i32
    %add3A_509 = arith.constant 31 : i32
    %add3A_510 = arith.addi %mul3A_508, %add3A_509 : i32
    %broadcast_in_dim3A_511 = vector.broadcast %add3A_510 : i32 to vector<1024x128xi32>
    %select_n3A_512 = arith.select %lt3A_506, %broadcast_in_dim3A_511, %select_n3A_497 : vector<1024x128xi1>, vector<1024x128xi32>
    %select_n3A_513 = arith.select %lt3A_506, %add3A_505, %select_n3A_498 : vector<1024x128xi1>, vector<1024x128xf32>
    %swap3A = arith.constant 0 : index
    %swap3A_514 = arith.constant 0 : index
    %swap3A_515 = vector.load %arg10[%swap3A, %swap3A_514] : memref<1024x128xf32, #tpu.memory_space<vmem>>, vector<1024x128xf32>
    tpu.vector_store %arg10[%swap3A, %swap3A_514], %select_n3A_513 {strides = array<i32>} : memref<1024x128xf32, #tpu.memory_space<vmem>>, vector<1024x128xf32>,
    %swap3A_516 = arith.constant 0 : index
    %swap3A_517 = arith.constant 0 : index
    %swap3A_518 = vector.load %arg11[%swap3A_516, %swap3A_517] : memref<1024x128xi32, #tpu.memory_space<vmem>>, vector<1024x128xi32>
    tpu.vector_store %arg11[%swap3A_516, %swap3A_517], %select_n3A_512 {strides = array<i32>} : memref<1024x128xi32, #tpu.memory_space<vmem>>, vector<1024x128xi32>,
    %iota3A = tpu.iota {dimensions = array<i32: 1>} : vector<1024x128xi32>
    %eq3A_519 = arith.constant 0 : i32
    %eq3A_520 = arith.cmpi eq, %arg2, %eq3A_519 : i32
    %convert_element_type3A_521 = arith.extui %eq3A_520 : i1 to i32
    %cond3A_522 = arith.constant 0 : i32
    %cond3A_523 = arith.cmpi ne, %convert_element_type3A_521, %cond3A_522 : i32
    scf.if %cond3A_523 {
      %get3A_529 = arith.constant 0 : index
      %get3A_530 = arith.constant 0 : index
      %get3A_531 = vector.load %arg10[%get3A_529, %get3A_530] : memref<1024x128xf32, #tpu.memory_space<vmem>>, vector<1024x128xf32>
      %reduce_min3A = arith.constant dense<0x7F800000> : vector<1024xf32>
      %reduce_min3A_532 = vector.multi_reduction <minimumf>, %get3A_531, %reduce_min3A [1] : vector<1024x128xf32> to vector<1024xf32>
      %broadcast_in_dim3A_533 = vector.shape_cast %reduce_min3A_532 : vector<1024xf32> to vector<1024x1xf32>
      %eq3A_534 = vector.broadcast %broadcast_in_dim3A_533 : vector<1024x1xf32> to vector<1024x128xf32>
      %eq3A_535 = arith.cmpf oeq, %get3A_531, %eq3A_534 : vector<1024x128xf32>
      %get3A_536 = arith.constant 0 : index
      %get3A_537 = arith.constant 0 : index
      %get3A_538 = vector.load %arg11[%get3A_536, %get3A_537] : memref<1024x128xi32, #tpu.memory_space<vmem>>, vector<1024x128xi32>
      %mul3A_539 = arith.constant 128 : i32
      %mul3A_540 = vector.broadcast %mul3A_539 : i32 to vector<1024x128xi32>
      %mul3A_541 = arith.muli %get3A_538, %mul3A_540 : vector<1024x128xi32>
      %add3A_542 = arith.addi %mul3A_541, %iota3A : vector<1024x128xi32>
      %jit3A_543 = arith.constant 2147483647 : i32
      %broadcast_in_dim3A_544 = vector.broadcast %jit3A_543 : i32 to vector<1024x128xi32>
      %select_n3A_545 = arith.select %eq3A_535, %add3A_542, %broadcast_in_dim3A_544 : vector<1024x128xi1>, vector<1024x128xi32>
      %reduce_min3A_546 = arith.constant dense<2147483647> : vector<1024xi32>
      %reduce_min3A_547 = vector.multi_reduction <minsi>, %select_n3A_545, %reduce_min3A_546 [1] : vector<1024x128xi32> to vector<1024xi32>
      %broadcast_in_dim3A_548 = vector.shape_cast %reduce_min3A_547 : vector<1024xi32> to vector<1024x1xi32>
      %swap3A_549 = arith.constant 0 : index
      %swap3A_550 = arith.constant 0 : index
      %swap3A_551 = vector.load %arg13[%swap3A_549, %swap3A_550] : memref<1024x1xi32, #tpu.memory_space<vmem>>, vector<1024x1xi32>
      tpu.vector_store %arg13[%swap3A_549, %swap3A_550], %broadcast_in_dim3A_548 {strides = array<i32>} : memref<1024x1xi32, #tpu.memory_space<vmem>>, vector<1024x1xi32>,
      %convert_element_type3A_552 = arith.truncf %broadcast_in_dim3A_533 : vector<1024x1xf32> to vector<1024x1xbf16>
      %convert_element_type3A_553 = arith.extf %convert_element_type3A_552 : vector<1024x1xbf16> to vector<1024x1xf32>
      %swap3A_554 = arith.constant 0 : index
      %swap3A_555 = arith.constant 0 : index
      %swap3A_556 = vector.load %arg12[%swap3A_554, %swap3A_555] : memref<1024x1xf32, #tpu.memory_space<vmem>>, vector<1024x1xf32>
      tpu.vector_store %arg12[%swap3A_554, %swap3A_555], %convert_element_type3A_553 {strides = array<i32>} : memref<1024x1xf32, #tpu.memory_space<vmem>>, vector<1024x1xf32>,
    } else {
    }
    %eq3A_524 = arith.constant 1 : i32
    %eq3A_525 = arith.cmpi eq, %arg2, %eq3A_524 : i32
    %convert_element_type3A_526 = arith.extui %eq3A_525 : i1 to i32
    %cond3A_527 = arith.constant 0 : i32
    %cond3A_528 = arith.cmpi ne, %convert_element_type3A_526, %cond3A_527 : i32
    scf.if %cond3A_528 {
      %get3A_529 = arith.constant 0 : index
      %get3A_530 = arith.constant 0 : index
      %get3A_531 = vector.load %arg10[%get3A_529, %get3A_530] : memref<1024x128xf32, #tpu.memory_space<vmem>>, vector<1024x128xf32>
      %reduce_min3A = arith.constant dense<0x7F800000> : vector<1024xf32>
      %reduce_min3A_532 = vector.multi_reduction <minimumf>, %get3A_531, %reduce_min3A [1] : vector<1024x128xf32> to vector<1024xf32>
      %broadcast_in_dim3A_533 = vector.shape_cast %reduce_min3A_532 : vector<1024xf32> to vector<1024x1xf32>
      %eq3A_534 = vector.broadcast %broadcast_in_dim3A_533 : vector<1024x1xf32> to vector<1024x128xf32>
      %eq3A_535 = arith.cmpf oeq, %get3A_531, %eq3A_534 : vector<1024x128xf32>
      %get3A_536 = arith.constant 0 : index
      %get3A_537 = arith.constant 0 : index
      %get3A_538 = vector.load %arg11[%get3A_536, %get3A_537] : memref<1024x128xi32, #tpu.memory_space<vmem>>, vector<1024x128xi32>
      %mul3A_539 = arith.constant 128 : i32
      %mul3A_540 = vector.broadcast %mul3A_539 : i32 to vector<1024x128xi32>
      %mul3A_541 = arith.muli %get3A_538, %mul3A_540 : vector<1024x128xi32>
      %add3A_542 = arith.addi %mul3A_541, %iota3A : vector<1024x128xi32>
      %jit3A_543 = arith.constant 2147483647 : i32
      %broadcast_in_dim3A_544 = vector.broadcast %jit3A_543 : i32 to vector<1024x128xi32>
      %select_n3A_545 = arith.select %eq3A_535, %add3A_542, %broadcast_in_dim3A_544 : vector<1024x128xi1>, vector<1024x128xi32>
      %reduce_min3A_546 = arith.constant dense<2147483647> : vector<1024xi32>
      %reduce_min3A_547 = vector.multi_reduction <minsi>, %select_n3A_545, %reduce_min3A_546 [1] : vector<1024x128xi32> to vector<1024xi32>
      %broadcast_in_dim3A_548 = vector.shape_cast %reduce_min3A_547 : vector<1024xi32> to vector<1024x1xi32>
      %get3A_549 = arith.constant 0 : index
      %get3A_550 = arith.constant 0 : index
      %get3A_551 = vector.load %arg12[%get3A_549, %get3A_550] : memref<1024x1xf32, #tpu.memory_space<vmem>>, vector<1024x1xf32>
      %lt3A_552 = arith.cmpf olt, %broadcast_in_dim3A_533, %get3A_551 : vector<1024x1xf32>
      %get3A_553 = arith.constant 0 : index
      %get3A_554 = arith.constant 0 : index
      %get3A_555 = vector.load %arg13[%get3A_553, %get3A_554] : memref<1024x1xi32, #tpu.memory_space<vmem>>, vector<1024x1xi32>
      %select_n3A_556 = arith.select %lt3A_552, %broadcast_in_dim3A_548, %get3A_555 : vector<1024x1xi1>, vector<1024x1xi32>
      %squeeze3A = vector.shape_cast %select_n3A_556 : vector<1024x1xi32> to vector<1024xi32>
      %mul3A_557 = arith.constant 1024 : i32
      %mul3A_558 = arith.muli %arg1, %mul3A_557 : i32
      %swap3A_559 = arith.constant 0 : index
      %swap3A_560 = arith.constant 0 : index
      %swap3A_561 = arith.index_cast %mul3A_558 : i32 to index
      %swap3A_562 = vector.load %arg7[%swap3A_559, %swap3A_560, %swap3A_561] : memref<1x1x4096xi32, #tpu.memory_space<vmem>>, vector<1x1x1024xi32>
      %swap3A_563 = vector.shape_cast %swap3A_562 : vector<1x1x1024xi32> to vector<1024xi32>
      %swap3A_564 = vector.shape_cast %squeeze3A : vector<1024xi32> to vector<1x1x1024xi32>
      tpu.vector_store %arg7[%swap3A_559, %swap3A_560, %swap3A_561], %swap3A_564 {strides = array<i32>} : memref<1x1x4096xi32, #tpu.memory_space<vmem>>, vector<1x1x1024xi32>,
    } else {
    }
    return
  }
  func.func @transform_0(%arg0: i32, %arg1: i32, %arg2: i32) -> (i32, i32) {
    %c0_i32 = arith.constant 0 : i32
    %c0_i32_0 = arith.constant 0 : i32
    return %arg1, %c0_i32 : i32, i32
  }
  func.func @transform_1(%arg0: i32, %arg1: i32, %arg2: i32) -> (i32, i32, i32) {
    %c0_i32 = arith.constant 0 : i32
    %c0_i32_0 = arith.constant 0 : i32
    %c0_i32_1 = arith.constant 0 : i32
    return %arg0, %c0_i32, %c0_i32_0 : i32, i32, i32
  }
  func.func @transform_2(%arg0: i32, %arg1: i32, %arg2: i32) -> (i32, i32, i32) {
    %c0_i32 = arith.constant 0 : i32
    %c0_i32_0 = arith.constant 0 : i32
    return %arg0, %arg2, %c0_i32 : i32, i32, i32
  }
  func.func @transform_3(%arg0: i32, %arg1: i32, %arg2: i32) -> (i32, i32, i32) {
    %c0_i32 = arith.constant 0 : i32
    %c0_i32_0 = arith.constant 0 : i32
    return %arg0, %c0_i32, %arg2 : i32, i32, i32
  }
  func.func @transform_4(%arg0: i32, %arg1: i32, %arg2: i32) -> (i32, i32, i32) {
    %c0_i32 = arith.constant 0 : i32
    %c0_i32_0 = arith.constant 0 : i32
    %c0_i32_1 = arith.constant 0 : i32
    return %arg0, %c0_i32, %c0_i32_0 : i32, i32, i32
  }
}

module attributes {stable_mosaic.version = 14 : i64} {
  func.func @_loss_body(%arg0: i32, %arg1: memref<512x2048xf32, #tpu.memory_space<vmem>>, %arg2: memref<512x2048xf32, #tpu.memory_space<vmem>>, %arg3: memref<1x1xf32, #tpu.memory_space<smem>>, %arg4: memref<1x1xf32, #tpu.memory_space<smem>>) attributes {dimension_semantics = [#tpu.dimension_semantics<arbitrary>], iteration_bounds = array<i64: 8>, scalar_prefetch = 0 : i64, scratch_operands = 1 : i64, tpu.core_type = #tpu.core_type<tc>, window_params = [{transform_indices = @transform_0, window_bounds = array<i64: 512, 2048>}, {transform_indices = @transform_1, window_bounds = array<i64: 512, 2048>}, {transform_indices = @transform_2, window_bounds = array<i64: 1, 1>}]} {
    %eq3A = arith.constant 0 : i32
    %eq3A_0 = arith.cmpi eq, %arg0, %eq3A : i32
    %convert_element_type3A = arith.extui %eq3A_0 : i1 to i32
    %cond3A = arith.constant 0 : i32
    %cond3A_1 = arith.cmpi ne, %convert_element_type3A, %cond3A : i32
    scf.if %cond3A_1 {
      %swap3A_21 = arith.constant 0.000000e+00 : f32
      %swap3A_22 = arith.constant 0 : index
      %swap3A_23 = arith.constant 0 : index
      %swap3A_24 = memref.load %arg4[%swap3A_22, %swap3A_23] : memref<1x1xf32, #tpu.memory_space<smem>>
      memref.store %swap3A_21, %arg4[%swap3A_22, %swap3A_23] : memref<1x1xf32, #tpu.memory_space<smem>>
    } else {
    }
    %get3A = arith.constant 0 : index
    %get3A_2 = arith.constant 0 : index
    %get3A_3 = vector.load %arg1[%get3A, %get3A_2] : memref<512x2048xf32, #tpu.memory_space<vmem>>, vector<512x2048xf32>
    %get3A_4 = arith.constant 0 : index
    %get3A_5 = arith.constant 0 : index
    %get3A_6 = vector.load %arg2[%get3A_4, %get3A_5] : memref<512x2048xf32, #tpu.memory_space<vmem>>, vector<512x2048xf32>
    %sub3A = arith.subf %get3A_3, %get3A_6 : vector<512x2048xf32>
    %get3A_7 = arith.constant 0 : index
    %get3A_8 = arith.constant 0 : index
    %get3A_9 = memref.load %arg4[%get3A_7, %get3A_8] : memref<1x1xf32, #tpu.memory_space<smem>>
    %mul3A = arith.mulf %sub3A, %sub3A : vector<512x2048xf32>
    %reduce_sum3A = vector.shape_cast %mul3A : vector<512x2048xf32> to vector<1x512x2048xf32>
    %reduce_sum3A_10 = arith.constant dense<0.000000e+00> : vector<1xf32>
    %reduce_sum3A_11 = vector.multi_reduction <add>, %reduce_sum3A, %reduce_sum3A_10 [1, 2] : vector<1x512x2048xf32> to vector<1xf32>
    %reduce_sum3A_12 = vector.shape_cast %reduce_sum3A_11 : vector<1xf32> to vector<1x1x1xf32>
    %reduce_sum3A_13 = vector.extract %reduce_sum3A_12[0, 0, 0] : f32 from vector<1x1x1xf32>
    %add3A = arith.addf %get3A_9, %reduce_sum3A_13 : f32
    %swap3A = arith.constant 0 : index
    %swap3A_14 = arith.constant 0 : index
    %swap3A_15 = memref.load %arg4[%swap3A, %swap3A_14] : memref<1x1xf32, #tpu.memory_space<smem>>
    memref.store %add3A, %arg4[%swap3A, %swap3A_14] : memref<1x1xf32, #tpu.memory_space<smem>>
    %eq3A_16 = arith.constant 7 : i32
    %eq3A_17 = arith.cmpi eq, %arg0, %eq3A_16 : i32
    %convert_element_type3A_18 = arith.extui %eq3A_17 : i1 to i32
    %cond3A_19 = arith.constant 0 : i32
    %cond3A_20 = arith.cmpi ne, %convert_element_type3A_18, %cond3A_19 : i32
    scf.if %cond3A_20 {
      %get3A_21 = arith.constant 0 : index
      %get3A_22 = arith.constant 0 : index
      %get3A_23 = memref.load %arg4[%get3A_21, %get3A_22] : memref<1x1xf32, #tpu.memory_space<smem>>
      %div3A = arith.constant 0x4B000000 : f32
      %div3A_24 = arith.divf %get3A_23, %div3A : f32
      %mul3A_25 = arith.constant 2.500000e-01 : f32
      %mul3A_26 = arith.mulf %mul3A_25, %div3A_24 : f32
      %add3A_27 = arith.addf %div3A_24, %mul3A_26 : f32
      %swap3A_28 = arith.constant 0 : index
      %swap3A_29 = arith.constant 0 : index
      %swap3A_30 = memref.load %arg3[%swap3A_28, %swap3A_29] : memref<1x1xf32, #tpu.memory_space<smem>>
      memref.store %add3A_27, %arg3[%swap3A_28, %swap3A_29] : memref<1x1xf32, #tpu.memory_space<smem>>
    } else {
    }
    return
  }
  func.func @transform_0(%arg0: i32) -> (i32, i32) {
    %c0_i32 = arith.constant 0 : i32
    %c0_i32_0 = arith.constant 0 : i32
    return %arg0, %c0_i32 : i32, i32
  }
  func.func @transform_1(%arg0: i32) -> (i32, i32) {
    %c0_i32 = arith.constant 0 : i32
    %c0_i32_0 = arith.constant 0 : i32
    return %arg0, %c0_i32 : i32, i32
  }
  func.func @transform_2(%arg0: i32) -> (i32, i32) {
    %c0_i32 = arith.constant 0 : i32
    %c0_i32_0 = arith.constant 0 : i32
    %c0_i32_1 = arith.constant 0 : i32
    return %c0_i32, %c0_i32_0 : i32, i32
  }
}

</mosaic_0001>

<sc_bundles>
// kernel: kernel.6.cloned.1.call-start
scs
__scs_entry_jumppad:
0x0: {  	(pc) =	sbr.rel $0x88, $3  }
0x1: {  	(tag) =	ssettag $0x0;
	lr =	simm.s32 $0x1  }
0x2: {  	[smem:$0x3F9E] =	sst lr;
	_ =	strace $0xD0000000  }
0x3: {  	_ = 	snop  }
0x4: {  	_ = 	snop  }
0x5: {  	_ = 	snop  }
0x6: {  	_ = 	snop  }
0x7: {  	_ = 	snop  }
__scs_overlays_trampoline_lowered:
0x8: {  	[smem:$0x3FAD] =	sst s0  }
0x9: {  	[smem:$0x3FAE] =	sst s1  }
0xa: {  	[smem:$0x3FAF] =	sst s2  }
0xb: {  	[smem:$0x3FB0] =	sst s3  }
0xc: {  	[smem:$0x3FB1] =	sst s4  }
0xd: {  	[smem:$0x3FB2] =	sst s5  }
0xe: {  	[smem:$0x3FB3] =	sst s6  }
0xf: {  	[smem:$0x3FB4] =	sst s7  }
0x10: {  	[smem:$0x3FB5] =	sst s8  }
0x11: {  	[smem:$0x3FB6] =	sst s9;
	s0 =	simm.s32 @!p0 $0x0  }
0x12: {  	s1 =	sld [smem:$0x3F9C];
	s0 =	simm.s32 @p0 $0x1  }
0x13: {  	[smem:$0x3FB7] =	sst s0;
	s0 =	simm.s32 @!p1 $0x0  }
0x14: {  	s2 =	sld [smem:$0x3F9B];
	s0 =	simm.s32 @p1 $0x1  }
0x15: {  	[smem:$0x3FB8] =	sst s0;
	s0 =	simm.s32 @!p2 $0x0  }
0x16: {  	s3 =	sld [smem:$0x3FDB];
	s0 =	simm.s32 @p2 $0x1  }
0x17: {  	s4 =	simm.s32 $0x1BF5;
	[smem:$0x3FBA] =	sst s0  }
0x18: {  	s0 =	sld [smem:$0x3F9D];
	_ =	swait.ge [sflag:s4], $0x0  }
0x19: {  	s7 =	sld [smem:$0x3F9E]  }
0x1a: {  	s8 =	sadd.s32 $0xFFFFE003, lr  }
0x1b: {  	s9 =	sadd.s32 $0xFFFFFEF7, lr;
	s5 =	simm.s32 $0xFFFFFFFF;
	p2 =	slt.u32 s8, $0xFFFFF086  }
0x1c: {  	p1 =	slt.u32 s9, $0xF7A;
	s5 =	simm.s32 @!p2 $0x0  }
0x1d: {  	s5 =	simm.s32 @p1 $0x1;
	p0 =	seq.s32 s7, s2  }
0x1e: {  	s7 =	smul.u32 @!p0 $0xF7A, s2;
	p2 =	seq.s32 @!p0 s5, $0x0  }
0x1f: {  	s9 =	smul.u32 $0xF7A, s1;
	s8 =	simm.s32 @!p0 $0x1BF5;
	p2 =	por !p2, p0  }
0x20: {  	[sflag:s8] =	ssyncset.s32 @!p0 $0xFFFFF086;
	s6 =	sadd.s32 @!p0 s3, s7;
	s7 =	simm.s32 @!p0 $0x108  }
0x21: {  	s3 =	sadd.s32 s3, s9;
	s6 =	sadd.s32 @!p0 $0x88, s6;
	s7 =	simm.s32 @p2 $0x1082  }
0x22: {  	[simem:s7], [sflag:s8] =	dma.local @!p0 [hbm:s6], $0xF7A  }
0x23: {  	s9 =	sor.u32 $0xD0000000, s2;
	s6 =	simm.s32 $0x108;
	_ =	swait.ge @!p0 [sflag:s8], $0x0  }
0x24: {  	s3 =	sadd.s32 $0x88, s3;
	s6 =	simm.s32 @!p1 $0x1082;
	[sflag:s4] =	ssyncset.s32 $0xFFFFF086  }
0x25: {  	[simem:s6], [sflag:s4] =	dma.local [hbm:s3], $0xF7A  }
0x26: {  	[smem:$0x3F9E] =	sst s1;
	(tag) =	ssettag s2;
	_ =	strace s9  }
0x27: {  	s1 =	sld [smem:$0x3FAE]  }
0x28: {  	s2 =	sld [smem:$0x3FAF]  }
0x29: {  	s4 =	sld [smem:$0x3FB1]  }
0x2a: {  	p0 =	seq.s32 s5, $0x0;
	s5 =	sld [smem:$0x3FB2]  }
0x2b: {  	s6 =	sld [smem:$0x3FB3]  }
0x2c: {  	s7 =	sld [smem:$0x3FB4]  }
0x2d: {  	s3 =	simm.s32 $0x108;
	s8 =	sld [smem:$0x3FB5]  }
0x2e: {  	s3 =	simm.s32 @!p0 $0x1082;
	s9 =	sld [smem:$0x3FB6]  }
0x2f: {  	lr =	sadd.s32 s0, s3;
	s0 =	sld [smem:$0x3FAD]  }
0x30: {  	s3 =	sld [smem:$0x3FB0]  }
0x31: {  	[smem:$0x3FB9] =	sst s10  }
0x32: {  	s10 =	sld [smem:$0x3FB7];
	_ =	sdelay $0x3  }
0x33: {  	p0 =	seq.s32 s10, $0x1;
	s10 =	sld [smem:$0x3FB9];
	_ =	sdelay $0x3  }
0x34: {  	[smem:$0x3FB9] =	sst s10  }
0x35: {  	s10 =	sld [smem:$0x3FB8];
	_ =	sdelay $0x3  }
0x36: {  	p1 =	seq.s32 s10, $0x1;
	s10 =	sld [smem:$0x3FB9];
	_ =	sdelay $0x3  }
0x37: {  	[smem:$0x3FB9] =	sst s10  }
0x38: {  	s10 =	sld [smem:$0x3FBA]  }
0x39: {  	_ = 	snop;
	(pc) =	sbr.ind lr, $3  }
0x3a: {  	_ = 	snop  }
0x3b: {  	_ = 	snop  }
0x3c: {  	p2 =	seq.s32 s10, $0x1;
	s10 =	sld [smem:$0x3FB9]  }
0x3d: {  	_ =	shalt  }
0x3e: {  	_ =	shalt  }
0x3f: {  	_ =	shalt  }
0x40: {  	_ =	shalt  }
0x41: {  	_ =	shalt  }
0x42: {  	_ =	shalt  }
0x43: {  	_ =	shalt  }
0x44: {  	_ =	shalt  }
0x45: {  	_ =	shalt  }
0x46: {  	_ =	shalt  }
0x47: {  	_ =	shalt  }
0x48: {  	_ =	shalt  }
0x49: {  	_ =	shalt  }
0x4a: {  	_ =	shalt  }
0x4b: {  	_ =	shalt  }
0x4c: {  	_ =	shalt  }
0x4d: {  	_ =	shalt  }
0x4e: {  	_ =	shalt  }
0x4f: {  	_ =	shalt  }
0x50: {  	_ =	shalt  }
0x51: {  	_ =	shalt  }
0x52: {  	_ =	shalt  }
0x53: {  	_ =	shalt  }
0x54: {  	_ =	shalt  }
0x55: {  	_ =	shalt  }
0x56: {  	_ =	shalt  }
0x57: {  	_ =	shalt  }
0x58: {  	_ =	shalt  }
0x59: {  	_ =	shalt  }
0x5a: {  	_ =	shalt  }
0x5b: {  	_ =	shalt  }
0x5c: {  	_ =	shalt  }
0x5d: {  	_ =	shalt  }
0x5e: {  	_ =	shalt  }
0x5f: {  	_ =	shalt  }
0x60: {  	_ =	shalt  }
0x61: {  	_ =	shalt  }
0x62: {  	_ =	shalt  }
0x63: {  	_ =	shalt  }
0x64: {  	_ =	shalt  }
0x65: {  	_ =	shalt  }
0x66: {  	_ =	shalt  }
0x67: {  	_ =	shalt  }
0x68: {  	_ =	shalt  }
0x69: {  	_ =	shalt  }
0x6a: {  	_ =	shalt  }
0x6b: {  	_ =	shalt  }
0x6c: {  	_ =	shalt  }
0x6d: {  	_ =	shalt  }
0x6e: {  	_ =	shalt  }
0x6f: {  	_ =	shalt  }
0x70: {  	_ =	shalt  }
0x71: {  	_ =	shalt  }
0x72: {  	_ =	shalt  }
0x73: {  	_ =	shalt  }
0x74: {  	_ =	shalt  }
0x75: {  	_ =	shalt  }
0x76: {  	_ =	shalt  }
0x77: {  	_ =	shalt  }
0x78: {  	_ =	shalt  }
0x79: {  	_ =	shalt  }
0x7a: {  	_ =	shalt  }
0x7b: {  	_ =	shalt  }
0x7c: {  	_ =	shalt  }
0x7d: {  	_ =	shalt  }
0x7e: {  	_ =	shalt  }
0x7f: {  	_ =	shalt  }
0x80: {  	_ =	shalt  }
0x81: {  	_ =	shalt  }
0x82: {  	_ =	shalt  }
0x83: {  	_ =	shalt  }
0x84: {  	_ =	shalt  }
0x85: {  	_ =	shalt  }
0x86: {  	_ =	shalt  }
0x87: {  	_ =	shalt  }
.Lfunc_end0:
.L_simem_size_0:
called_computation_lowered:
.L_overlay_start_0:
0x88: {  	s2 =	sld [smem:$0x3FD9]  }
0x89: {  	s3 =	sld [smem:$0x3FFE];
	_ =	sdelay $0x1  }
0x8a: {  	s1 =	srdreg.scid  }
0x8b: {  	s0 =	sand.u32 $0x1, s1  }
0x8c: {  	s14 =	sshll.u32 s0, $0xA;
	s2 =	sadd.s32 s3, s2  }
0x8d: {  	s2 =	sadd.s32 s2, s14  }
0x8e: {  	[smem:$0x3FC5] =	sst s2  }
0x8f: {  	_ = 	snop  }
0x90: {  	s2 =	sld [smem:$0x3FD0];
	_ =	sdelay $0x2  }
0x91: {  	s4 =	simm.s32 $0xA;
	s5 =	simm.s32 $0x10;
	s15 =	sld [smem:$0x3FC7]  }
0x92: {  	[smem:s5], [sflag:s4] =	dma.local [hbm:s2], $0x1  }
0x93: {  	_ =	swait.eq [sflag:s4], $0x1  }
0x94: {  	[sflag:s4] =	ssyncset.done $0x0  }
0x95: {  	[sflag:s4] =	ssyncadd.s32 $0xFFFFFFFF  }
0x96: {  	s16 =	sld [smem:$0x10];
	(tm) =	ssettm $0x1  }
0x97: {  	s17 =	sld [smem:$0x3FFB];
	_ =	sdelay $0x3  }
0x98: {  	_ =	strace s17  }
0x99: {  	s4 =	sld [smem:$0x3FFC];
	_ =	sdelay $0x3  }
0x9a: {  	_ =	strace s4  }
0x9b: {  	s4 =	sld [smem:$0x3FFD];
	_ =	sdelay $0x3  }
0x9c: {  	_ =	strace s4  }
0x9d: {  	_ =	strace $0x8FFFFFFF  }
0x9e: {  	s18 =	sld [smem:$0x3FDB];
	_ =	sdelay $0x1  }
0x9f: {  	s19 =	simm.s32 $_scs_section_size  }
0xa0: {  	s6 =	simm.s32 $_size__tile_overlayer_lowered;
	s7 =	simm.s32 $_tile_overlayer_lowered  }
0xa1: {  	s22 =	simm.s32 $0x1BFF;
	s21 =	sshll.u32 s7, $0x1;
	s4 =	sadd.s32 s19, s18  }
0xa2: {  	s8 =	simm.s32 $0x0;
	s20 =	sshll.u32 s6, $0x1;
	s6 =	sadd.s32 s21, s4  }
0xa3: {  	[timem:s8], [sflag:s22] =	dma.local [hbm:s6], s20  }
0xa4: {  	_ =	swait.ge [sflag:s22], s20  }
0xa5: {  	s5 =	ssub.s32 $0x0, s20;
	[sflag:s22] =	ssyncset.done $0x0  }
0xa6: {  	[sflag:s22] =	ssyncadd.s32 s5;
	_ =	sdelay $0x1  }
0xa7: {  	s23 =	simm.s32 $0x1B8B  }
0xa8: {  	_ =	swait.ge [sflag:s23], $0x1  }
0xa9: {  	[sflag:s23] =	ssyncset.done $0x0  }
0xaa: {  	s25 =	simm.s32 $0x1B8E;
	s24 =	sld [smem:$0x3FFE];
	[sflag:s23] =	ssyncadd.s32 $0xFFFFFFFF  }
0xab: {  	s26 =	simm.s32 $execute0_lowered;
	[smem:$0x3FD2] =	sst s25  }
0xac: {  	s6 =	sshll.u32 s26, $0x1;
	_ =	strace $0x80000046;
	[dreg:$0x1] =	wrdreg $0xFFFFFFFF  }
0xad: {  	s28 =	simm.s32 $_size_execute0_lowered;
	s4 =	sadd.s32 s4, s6;
	[dreg:$0x0] =	wrdreg $0x0  }
0xae: {  	s6 =	sshll.u32 s28, $0x1;
	[dreg:$0x2] =	wrdreg s4  }
0xaf: {  	[dreg:$0x3] =	wrdreg s6  }
0xb0: {  	[dreg:$0x4] =	wrdreg $0xC0  }
0xb1: {  	_ =	task [dreg:s8], $0x5FFFF  }
0xb2: {  	[dreg:$0x1] =	wrdreg $0xFFFFFFFF  }
0xb3: {  	[dreg:$0x0] =	wrdreg $0x60  }
0xb4: {  	[dreg:$0x2] =	wrdreg s15  }
0xb5: {  	[dreg:$0x3] =	wrdreg s16  }
0xb6: {  	[dreg:$0x4] =	wrdreg s24  }
0xb7: {  	[dreg:$0x5] =	wrdreg $0x9  }
0xb8: {  	_ =	task.clear_ibuf [dreg:s8], $0x6FFFF;
	_ =	strace $0x90000046  }
0xb9: {  	s29 =	simm.s32 $0x9;
	_ =	strace $0x80000048  }
0xba: {  	_ =	swait.ge [sflag:s29], $0x1  }
0xbb: {  	[sflag:s29] =	ssyncadd.s32 $0xFFFFFFFF  }
0xbc: {  	_ =	strace $0x90000048  }
0xbd: {  	_ =	sfence  }
0xbe: {  	s30 =	sld [smem:$0x0];
	_ =	sdelay $0x2  }
0xbf: {  	s31 =	sshll.u32 s1, $0xD;
	s1 =	sshrl.u32 s1, $0x2  }
0xc0: {  	s3 =	sand.u32 $0x4000, s31;
	s1 =	sadd.s32 s1, s30  }
0xc1: {  	s0 =	sor.u32 s3, s0;
	s1 =	sshll.u32 s1, $0x11  }
0xc2: {  	s0 =	sor.u32 s1, s0  }
0xc3: {  	s0 =	sadd.s32 $0x8F2B, s0  }
0xc4: {  	[sflag:s0] =	ssyncadd.remote.s32 $0x1  }
0xc5: {  	_ =	sfence.sel $0xFFFF  }
0xc6: {  	[dreg:$0x0] =	wrdreg $0xFFFFFFFF;
	(pc) =	sbr.abs _section_cstart, $3  }
0xc7: {  	[dreg:$0x1] =	wrdreg $0xFFFFFFFF  }
0xc8: {  	_ =	task.clear_ibuf [dreg:s8], $0x2FFFF;
	_ =	strace $0x9FFFFFFF  }
0xc9: {  	(tm) =	ssettm $0x7FFFFFFF  }
tec
execute0_lowered:
.L_overlay_start_1:
0x0: {  	(tag) =	ssettag $0x1  }
0x1: {  	s1 =	rddreg [dreg:$0x0]  }
0x2: {  	s6 =	rddreg [dreg:$0x1]  }
0x3: {  	s4 =	rddreg [dreg:$0x2]  }
0x4: {  	s0 =	rddreg [dreg:$0x3]  }
0x5: {  	s3 =	simm.s32 $0x0;
	s2 =	stileid.u32;
	s5 =	srdreg.scid  }
0x6: {  	s11 =	simm.s32 $0x1880;
	s12 =	simm.s32 $0x2080;
	s13 =	simm.s32 $0x2880  }
0x7: {  	s14 =	simm.s32 $0x3080;
	s15 =	simm.s32 $0x3880;
	s16 =	simm.s32 $0x4080  }
0x8: {  	s17 =	simm.s32 $0x4880;
	s18 =	simm.s32 $0x5080;
	s19 =	simm.s32 $0x5880  }
0x9: {  	s20 =	simm.s32 $0x6080;
	s21 =	simm.s32 $0x6880;
	s22 =	simm.s32 $0x7080  }
0xa: {  	s23 =	simm.s32 $0x7880;
	s24 =	simm.s32 $0x1;
	s25 =	simm.s32 $0x0  }
0xb: {  	[smem:$0x7FF] =	sst s3;
	s7 =	sshll.u32 s2, $0x10;
	s5 =	sand.u32 $0x1, s5  }
0xc: {  	s9 =	sshll.u32 s2, $0xB;
	_ =	strace $0x80000047;
	s7 =	sadd.s32 s7, s4  }
0xd: {  	s29 =	ssub.s32 $0x2, s5;
	s10 =	sshll.u32 s5, $0xA;
	s5 =	sshll.u32 s5, $0xF  }
0xe: {  	s8 =	sshrl.u32 s29, $0x1;
	s30 =	sor.u32 s10, s9;
	s5 =	sadd.s32 s5, s7  }
0xf: {  	v2 =	vlaneseq.u32;
	s7 =	simm.s32 $0x2;
	s9 =	simm.s32 $0x880;
	s10 =	simm.s32 $0x1080  }
0x10: {  	vm0 =	vmmov $0xffff;
	v1 =	vshrl.u32 v2, $0x3;
	s4 =	ssub.s32 s29, s8;
	s31 =	sshrl.u32 s30, $0x3;
	s5 =	sadd.s32 $0x600, s5  }
0x11: {  	v0 =	vand.u32 $0x7, v2;
	v2 =	vor.u32 $0x8, v2;
	v1 =	vmul.u32 $0x8, v1;
	s8 =	simm.s32 $0x80;
	s4 =	smax.u32 s4, $0x1;
	s6 =	sadd.s32 s31, s6  }
.LBB2_1:
0x12: {  	s26 =	smov.u32 s5;
	s28 =	simm.s32 $0x0  }
.LBB2_2:
0x13: {  	s29 =	sadd.s32 s28, s6  }
0x14: {  	[tilespmem:s3], [sflag:$0x2] =	stream.linear.gather [hbm4b:s29+s3], $0x80, $0x38;
	[tilespmem:$0x8080] =	vst v63  }
0x15: {  	_ =	swait.ge [sflag:s7], $0x80  }
0x16: {  	[sflag:s7] =	ssyncset.done $0x0  }
0x17: {  	[sflag:s7] =	ssyncadd.s32 $0xFFFFFF80  }
0x18: {  	v3 =	vld [tilespmem:$0x0];
	_ =	sdelay $0x4  }
0x19: {  	v4 =	vshll.u32 v3, $0x1  }
0x1a: {  	v3 =	vand.u32 $0x7, v3;
	v4 =	vand.u32 $0xFFFFFFF0, v4  }
0x1b: {  	v3 =	vor.u32 v3, v4  }
0x1c: {  	v4 =	vperm.xlane v3, v0;
	_ =	sdelay $0x1  }
0x1d: {  	v3 =	vperm.xlane v3, v2;
	v4 =	vadd.s32 v1, v4;
	_ =	sdelay $0x1  }
0x1e: {  	v3 =	vadd.s32 v1, v3;
	_ =	sdelay $0x2  }
0x1f: {  	[tilespmem:s8], [sflag:$0x1] =	stream.indirect_vreg.gather [hbm4b:s1+s3], $0x80, v4, vm0, $0xb8;
	[tilespmem:$0x8080] =	vst v63  }
0x20: {  	_ = 	snop  }
0x21: {  	[tilespmem:s9], [sflag:$0x1] =	stream.indirect_vreg.gather [hbm4b:s1+s3], $0x80, v3, vm0, $0xb8;
	[tilespmem:$0x8080] =	vst v63  }
0x22: {  	v3 =	vld [tilespmem:$0x10];
	_ =	sdelay $0x4  }
0x23: {  	v57 =	vshll.u32 v3, $0x1  }
0x24: {  	v3 =	vand.u32 $0x7, v3;
	v4 =	vand.u32 $0xFFFFFFF0, v57  }
0x25: {  	v3 =	vor.u32 v3, v4  }
0x26: {  	v4 =	vperm.xlane v3, v0;
	_ =	sdelay $0x1  }
0x27: {  	v3 =	vperm.xlane v3, v2;
	v4 =	vadd.s32 v1, v4;
	_ =	sdelay $0x1  }
0x28: {  	v3 =	vadd.s32 v1, v3;
	_ =	sdelay $0x2  }
0x29: {  	[tilespmem:s10], [sflag:$0x1] =	stream.indirect_vreg.gather [hbm4b:s1+s3], $0x80, v4, vm0, $0xb8;
	[tilespmem:$0x8080] =	vst v63  }
0x2a: {  	_ = 	snop  }
0x2b: {  	[tilespmem:s11], [sflag:$0x1] =	stream.indirect_vreg.gather [hbm4b:s1+s3], $0x80, v3, vm0, $0xb8;
	[tilespmem:$0x8080] =	vst v63  }
0x2c: {  	v3 =	vld [tilespmem:$0x20];
	_ =	sdelay $0x4  }
0x2d: {  	v58 =	vshll.u32 v3, $0x1  }
0x2e: {  	v3 =	vand.u32 $0x7, v3;
	v4 =	vand.u32 $0xFFFFFFF0, v58  }
0x2f: {  	v3 =	vor.u32 v3, v4  }
0x30: {  	v4 =	vperm.xlane v3, v0;
	_ =	sdelay $0x1  }
0x31: {  	v3 =	vperm.xlane v3, v2;
	v4 =	vadd.s32 v1, v4;
	_ =	sdelay $0x1  }
0x32: {  	v3 =	vadd.s32 v1, v3;
	_ =	sdelay $0x2  }
0x33: {  	[tilespmem:s12], [sflag:$0x1] =	stream.indirect_vreg.gather [hbm4b:s1+s3], $0x80, v4, vm0, $0xb8;
	[tilespmem:$0x8080] =	vst v63  }
0x34: {  	_ = 	snop  }
0x35: {  	[tilespmem:s13], [sflag:$0x1] =	stream.indirect_vreg.gather [hbm4b:s1+s3], $0x80, v3, vm0, $0xb8;
	[tilespmem:$0x8080] =	vst v63  }
0x36: {  	v3 =	vld [tilespmem:$0x30];
	_ =	sdelay $0x4  }
0x37: {  	v59 =	vshll.u32 v3, $0x1  }
0x38: {  	v3 =	vand.u32 $0x7, v3;
	v4 =	vand.u32 $0xFFFFFFF0, v59  }
0x39: {  	v3 =	vor.u32 v3, v4  }
0x3a: {  	v4 =	vperm.xlane v3, v0;
	_ =	sdelay $0x1  }
0x3b: {  	v3 =	vperm.xlane v3, v2;
	v4 =	vadd.s32 v1, v4;
	_ =	sdelay $0x1  }
0x3c: {  	v3 =	vadd.s32 v1, v3;
	_ =	sdelay $0x2  }
0x3d: {  	[tilespmem:s14], [sflag:$0x1] =	stream.indirect_vreg.gather [hbm4b:s1+s3], $0x80, v4, vm0, $0xb8;
	[tilespmem:$0x8080] =	vst v63  }
0x3e: {  	_ = 	snop  }
0x3f: {  	[tilespmem:s15], [sflag:$0x1] =	stream.indirect_vreg.gather [hbm4b:s1+s3], $0x80, v3, vm0, $0xb8;
	[tilespmem:$0x8080] =	vst v63  }
0x40: {  	v3 =	vld [tilespmem:$0x40];
	_ =	sdelay $0x4  }
0x41: {  	v60 =	vshll.u32 v3, $0x1  }
0x42: {  	v3 =	vand.u32 $0x7, v3;
	v4 =	vand.u32 $0xFFFFFFF0, v60  }
0x43: {  	v3 =	vor.u32 v3, v4  }
0x44: {  	v4 =	vperm.xlane v3, v0;
	_ =	sdelay $0x1  }
0x45: {  	v3 =	vperm.xlane v3, v2;
	v4 =	vadd.s32 v1, v4;
	_ =	sdelay $0x1  }
0x46: {  	v3 =	vadd.s32 v1, v3;
	_ =	sdelay $0x2  }
0x47: {  	[tilespmem:s16], [sflag:$0x1] =	stream.indirect_vreg.gather [hbm4b:s1+s3], $0x80, v4, vm0, $0xb8;
	[tilespmem:$0x8080] =	vst v63  }
0x48: {  	_ = 	snop  }
0x49: {  	[tilespmem:s17], [sflag:$0x1] =	stream.indirect_vreg.gather [hbm4b:s1+s3], $0x80, v3, vm0, $0xb8;
	[tilespmem:$0x8080] =	vst v63  }
0x4a: {  	v3 =	vld [tilespmem:$0x50];
	_ =	sdelay $0x4  }
0x4b: {  	v61 =	vshll.u32 v3, $0x1  }
0x4c: {  	v3 =	vand.u32 $0x7, v3;
	v4 =	vand.u32 $0xFFFFFFF0, v61  }
0x4d: {  	v3 =	vor.u32 v3, v4  }
0x4e: {  	v4 =	vperm.xlane v3, v0;
	_ =	sdelay $0x1  }
0x4f: {  	v3 =	vperm.xlane v3, v2;
	v4 =	vadd.s32 v1, v4;
	_ =	sdelay $0x1  }
0x50: {  	v3 =	vadd.s32 v1, v3;
	_ =	sdelay $0x2  }
0x51: {  	[tilespmem:s18], [sflag:$0x1] =	stream.indirect_vreg.gather [hbm4b:s1+s3], $0x80, v4, vm0, $0xb8;
	[tilespmem:$0x8080] =	vst v63  }
0x52: {  	_ = 	snop  }
0x53: {  	[tilespmem:s19], [sflag:$0x1] =	stream.indirect_vreg.gather [hbm4b:s1+s3], $0x80, v3, vm0, $0xb8;
	[tilespmem:$0x8080] =	vst v63  }
0x54: {  	v3 =	vld [tilespmem:$0x60];
	_ =	sdelay $0x4  }
0x55: {  	v62 =	vshll.u32 v3, $0x1  }
0x56: {  	v3 =	vand.u32 $0x7, v3;
	v4 =	vand.u32 $0xFFFFFFF0, v62  }
0x57: {  	v3 =	vor.u32 v3, v4  }
0x58: {  	v4 =	vperm.xlane v3, v0;
	_ =	sdelay $0x1  }
0x59: {  	v3 =	vperm.xlane v3, v2;
	v4 =	vadd.s32 v1, v4;
	_ =	sdelay $0x1  }
0x5a: {  	v3 =	vadd.s32 v1, v3;
	_ =	sdelay $0x2  }
0x5b: {  	[tilespmem:s20], [sflag:$0x1] =	stream.indirect_vreg.gather [hbm4b:s1+s3], $0x80, v4, vm0, $0xb8;
	[tilespmem:$0x8080] =	vst v63  }
0x5c: {  	_ = 	snop  }
0x5d: {  	[tilespmem:s21], [sflag:$0x1] =	stream.indirect_vreg.gather [hbm4b:s1+s3], $0x80, v3, vm0, $0xb8;
	[tilespmem:$0x8080] =	vst v63  }
0x5e: {  	v3 =	vld [tilespmem:$0x70];
	_ =	sdelay $0x4  }
0x5f: {  	v63 =	vshll.u32 v3, $0x1  }
0x60: {  	v3 =	vand.u32 $0x7, v3;
	v4 =	vand.u32 $0xFFFFFFF0, v63  }
0x61: {  	v3 =	vor.u32 v3, v4  }
0x62: {  	v4 =	vperm.xlane v3, v0;
	_ =	sdelay $0x1  }
0x63: {  	v3 =	vperm.xlane v3, v2;
	v4 =	vadd.s32 v1, v4;
	_ =	sdelay $0x1  }
0x64: {  	v3 =	vadd.s32 v1, v3;
	_ =	sdelay $0x2  }
0x65: {  	[tilespmem:s22], [sflag:$0x1] =	stream.indirect_vreg.gather [hbm4b:s1+s3], $0x80, v4, vm0, $0xb8;
	[tilespmem:$0x8080] =	vst v63  }
0x66: {  	_ = 	snop  }
0x67: {  	[tilespmem:s23], [sflag:$0x1] =	stream.indirect_vreg.gather [hbm4b:s1+s3], $0x80, v3, vm0, $0xb8;
	[tilespmem:$0x8080] =	vst v63  }
0x68: {  	_ =	swait.ge [sflag:s24], $0x8000  }
0x69: {  	p0 =	sne.s32 s28, $0x70;
	[sflag:s24] =	ssyncset.done $0x0  }
.Ltmp0:
0x6a: {  	[sflag:s24] =	ssyncadd.s32 $0xFFFF8000;
	(pc) =	sbr.rel @p0 .LBB2_2-.Ltmp0, $4  }
0x6b: {  	[hbm4b:s26+s3] =	stream.linear.scatter [tilespmem:s8], [sflag:$0x2], $0x8000, $0x38;
	[tilespmem:$0x8080] =	vst v63  }
0x6c: {  	_ =	swait.ge [sflag:s7], $0x8000  }
0x6d: {  	[sflag:s7] =	ssyncset.done $0x0  }
0x6e: {  	s28 =	sadd.s32 $0x10, s28;
	s26 =	sadd.s32 $0x1000, s26;
	[sflag:s7] =	ssyncadd.s32 $0xFFFF8000  }
0x6f: {  	s25 =	sadd.s32 $0x1, s25  }
0x70: {  	p0 =	sne.s32 s25, s4  }
.Ltmp1:
0x71: {  	_ = 	snop;
	(pc) =	sbr.rel @p0 .LBB2_1-.Ltmp1, $1  }
0x72: {  	_ =	sdelay $0x3  }
0x73: {  	_ =	sfence.sel $0x180000  }
0x74: {  	[bflag:$0x0] =	sbarrier.arrive $0xFFFF  }
0x75: {  	p0 =	sne.s32 s2, $0x0;
	_ =	strace $0x90000047  }
0x76: {  	s0 =	sadd.s32 @!p0 $0x100000, s0;
	[bflag:$0x2] =	sbarrier.arrive $0xFFFF  }
0x77: {  	[sflag:s0] =	ssyncadd.tile.s32 @!p0 $0x1;
	_ =	shalt  }
.Lfunc_end2:
_tile_overlayer_lowered:
.L_overlay_start_2:
0x78: {  	(tag) =	ssettag $0x2  }
0x79: {  	s0 =	rddreg [dreg:$0x0];
	s2 =	stileid.u32  }
0x7a: {  	s1 =	rddreg [dreg:$0x1];
	p0 =	sne.s32 s2, $0x0  }
0x7b: {  	s3 =	rddreg [dreg:$0x2];
	[bflag:$0x3] =	sbarrier.arrive $0xFFFF;
	s2 =	simm.s32 @!p0 $0x1C02  }
0x7c: {  	[timem:s3], [sflag:s2] =	dma.local @!p0 [hbm:s0], s1  }
0x7d: {  	s0 =	simm.s32 @!p0 $0x2  }
0x7e: {  	_ =	swait.ge @!p0 [sflag:s0], s1  }
0x7f: {  	s1 =	ssub.s32 @!p0 $0x0, s1;
	[sflag:s0] =	ssyncset.done @!p0 $0x0  }
0x80: {  	[sflag:s0] =	ssyncadd.s32 @!p0 s1  }
0x81: {  	[bflag:$0x3] =	sbarrier.arrive $0xFFFF  }
0x82: {  	_ =	shalt  }

</sc_bundles>
